<compile_context>
chip_gen: v7x
topology: tpu7x:2x2x1
jax: 0.10.2.dev20260603
libtpu: 0.0.44.dev20260713+nightly
codegen_flags: <defaults>
</compile_context>

<pallas_src>
import functools

import jax
import jax.numpy as jnp
from jax import lax
from jax.experimental import pallas as pl
from jax.experimental.pallas import tpu as pltpu
from jax.experimental.pallas import tpu_sc as plsc

N = 100000
L = 200000
K = 4

NC = 2
NS = 16
NW = NC * NS

CA = 6256
CL = 12544
CLQ = CL // 4
CN = 3136
CNQ = CN // 2

_mesh = plsc.VectorSubcoreMesh(core_axis_name="c", subcore_axis_name="s")
_params = pltpu.CompilerParams(needs_layout_passes=False)


@functools.partial(
    pl.kernel,
    out_type=(jax.ShapeDtypeStruct((N,), jnp.float32),
              jax.ShapeDtypeStruct((L,), jnp.float32)),
    mesh=_mesh,
    compiler_params=_params,
    scratch_types=[
        pltpu.VMEM_SHARED((N,), jnp.float32),
        pltpu.VMEM_SHARED((L,), jnp.float32),
        pltpu.VMEM((CL,), jnp.int32),
        pltpu.VMEM((CL,), jnp.int32),
        pltpu.VMEM((CL,), jnp.float32),
        pltpu.VMEM((CL,), jnp.float32),
        pltpu.VMEM((CL,), jnp.float32),
        pltpu.VMEM((CL,), jnp.float32),
        [pltpu.VMEM((CN,), jnp.int32) for _ in range(K)],
        [pltpu.VMEM((CN,), jnp.float32) for _ in range(K)],
        pltpu.VMEM((CN,), jnp.float32),
        [pltpu.SemaphoreType.DMA for _ in range(16)],
    ],
)
def _slope_fused(head_hbm, tail_hbm, len_hbm, array_hbm, linksT_hbm,
                 out_hbm, grad_hbm,
                 arr_s, grad_s,
                 head_v, tail_v, len_v, hval_v, tval_v, grad_v,
                 links_v, g_v, out_v,
                 sems):
    cid = lax.axis_index("c")
    sid = lax.axis_index("s")
    wid = sid * NC + cid

    lbase = jnp.minimum(sid * CL, L - CL)
    cp_h = pltpu.async_copy(head_hbm.at[pl.ds(lbase, CL)], head_v, sems[8])
    cp_t = pltpu.async_copy(tail_hbm.at[pl.ds(lbase, CL)], tail_v, sems[9])
    cp_l = pltpu.async_copy(len_hbm.at[pl.ds(lbase, CL)], len_v, sems[10])

    nbase = jnp.minimum(wid * CN, N - CN)
    idx_cps = [
        pltpu.async_copy(linksT_hbm.at[pl.ds(j * N + nbase, CN)], links_v[j],
                         sems[4 + j])
        for j in range(K)
    ]

    abase = jnp.minimum(sid * CA, N - CA)
    pltpu.sync_copy(array_hbm.at[pl.ds(abase, CA)], grad_v.at[pl.ds(0, CA)])
    cp_a = pltpu.async_copy(grad_v.at[pl.ds(0, CA)],
                            arr_s.at[pl.ds(abase, CA)], sems[12])

    cp_a.wait()
    plsc.subcore_barrier()
    cp_h.wait()
    cp_t.wait()
    cp_l.wait()

    g_h = [
        pltpu.async_copy(arr_s.at[head_v.at[pl.ds(q * CLQ, CLQ)]],
                         hval_v.at[pl.ds(q * CLQ, CLQ)], sems[q])
        for q in range(4)
    ]
    g_t = [
        pltpu.async_copy(
            (array_hbm if q == 3 else arr_s).at[tail_v.at[pl.ds(q * CLQ, CLQ)]],
            tval_v.at[pl.ds(q * CLQ, CLQ)], sems[8 + q])
        for q in range(4)
    ]

    def body_a(i, carry):
        ds = pl.ds(i * 16, 16)
        grad_v[ds] = (hval_v[ds] - tval_v[ds]) / len_v[ds]
        return carry

    w_cps = []
    for q in range(4):
        g_h[q].wait()
        g_t[q].wait()
        lax.fori_loop(q * (CLQ // 16), (q + 1) * (CLQ // 16), body_a, 0)
        w_cps.append(pltpu.async_copy(grad_v.at[pl.ds(q * CLQ, CLQ)],
                                      grad_s.at[pl.ds(lbase + q * CLQ, CLQ)],
                                      sems[q]))
        w_cps.append(pltpu.async_copy(grad_v.at[pl.ds(q * CLQ, CLQ)],
                                      grad_hbm.at[pl.ds(lbase + q * CLQ, CLQ)],
                                      sems[12 + q]))
    for cp in w_cps:
        cp.wait()
    plsc.subcore_barrier()

    for cp in idx_cps:
        cp.wait()
    gb = [
        [
            pltpu.async_copy(
                (grad_hbm if (q, j) == (1, 3) else grad_s)
                .at[links_v[j].at[pl.ds(q * CNQ, CNQ)]],
                g_v[j].at[pl.ds(q * CNQ, CNQ)], sems[4 * q + j])
            for j in range(K)
        ]
        for q in range(2)
    ]

    def body_b(i, carry):
        ds = pl.ds(i * 16, 16)
        out_v[ds] = ((g_v[0][ds] + g_v[1][ds]) + (g_v[2][ds] + g_v[3][ds])) * 0.25
        return carry

    w_out = []
    for q in range(2):
        for cp in gb[q]:
            cp.wait()
        lax.fori_loop(q * (CNQ // 16), (q + 1) * (CNQ // 16), body_b, 0)
        w_out.append(pltpu.async_copy(out_v.at[pl.ds(q * CNQ, CNQ)],
                                      out_hbm.at[pl.ds(nbase + q * CNQ, CNQ)],
                                      sems[8 + q]))
    for cp in w_out:
        cp.wait()


def kernel(array, length_of_link, node_at_link_head, node_at_link_tail, links_at_node):
    linksT = links_at_node.T.reshape(-1)
    slope, _ = _slope_fused(node_at_link_head, node_at_link_tail,
                            length_of_link, array, linksT)
    return slope

# --- scband reference (transcript-rebuilt; emitter-appended) ---
"""Pipeline reference for scband-static-grid-31353261261050 (READ-ONLY COPY).

The authoritative reference and input builder live on the scoring server;
editing this copy changes nothing except your own understanding.
"""

import jax, jax.numpy as jnp
import numpy as np

N = 100000   # number_of_nodes
L = 200000   # number_of_links
MAX_LINKS_AT_NODE = 4


def setup_inputs(seed: int = 0) -> dict:
    key = jax.random.key(seed)
    k1, k2, k3, k4, k5 = jax.random.split(key, 5)
    array = jax.random.normal(k1, (N,), dtype=jnp.float32)
    # link lengths must be strictly positive (used as divisor)
    length_of_link = jax.random.uniform(k2, (L,), dtype=jnp.float32, minval=0.5, maxval=1.5)
    node_at_link_head = jax.random.randint(k3, (L,), 0, N, dtype=jnp.int32)
    node_at_link_tail = jax.random.randint(k4, (L,), 0, N, dtype=jnp.int32)
    links_at_node = jax.random.randint(k5, (N, MAX_LINKS_AT_NODE), 0, L, dtype=jnp.int32)
    return {
        "array": array,
        "length_of_link": length_of_link,
        "node_at_link_head": node_at_link_head,
        "node_at_link_tail": node_at_link_tail,
        "links_at_node": links_at_node,
    }


def reference(array, length_of_link, node_at_link_head, node_at_link_tail, links_at_node):
    # StaticGrid.calc_slope_at_node(array):
    #   calc_grad_at_link: per-link gradient of a node-defined field
    grad_at_link = jnp.divide(array[node_at_link_head] - array[node_at_link_tail], length_of_link)
    #   map_mean_of_links_to_node: gather link values back to nodes and average
    slope_at_node = jnp.mean(grad_at_link[links_at_node], axis=1)
    return slope_at_node

if __name__ == "__main__":
    import jax
    _d = setup_inputs()
    print(jax.jit(kernel)(*tuple(_d.values())))

</pallas_src>

<mosaic_0001>
#map = affine_map<(d0, d1) -> (0)>
module attributes {stable_mosaic.version = 14 : i64} {
  func.func @_slope_fused(%arg0: i32, %arg1: i32, %arg2: memref<200000xi32, #tpu.memory_space<hbm>>, %arg3: memref<200000xi32, #tpu.memory_space<hbm>>, %arg4: memref<200000xf32, #tpu.memory_space<hbm>>, %arg5: memref<100000xf32, #tpu.memory_space<hbm>>, %arg6: memref<400000xi32, #tpu.memory_space<hbm>>, %arg7: memref<100000xf32, #tpu.memory_space<hbm>>, %arg8: memref<200000xf32, #tpu.memory_space<hbm>>, %arg9: memref<100000xf32, #tpu.memory_space<vmem_shared>>, %arg10: memref<200000xf32, #tpu.memory_space<vmem_shared>>, %arg11: memref<12544xi32, #tpu.memory_space<vmem>>, %arg12: memref<12544xi32, #tpu.memory_space<vmem>>, %arg13: memref<12544xf32, #tpu.memory_space<vmem>>, %arg14: memref<12544xf32, #tpu.memory_space<vmem>>, %arg15: memref<12544xf32, #tpu.memory_space<vmem>>, %arg16: memref<12544xf32, #tpu.memory_space<vmem>>, %arg17: memref<3136xi32, #tpu.memory_space<vmem>>, %arg18: memref<3136xi32, #tpu.memory_space<vmem>>, %arg19: memref<3136xi32, #tpu.memory_space<vmem>>, %arg20: memref<3136xi32, #tpu.memory_space<vmem>>, %arg21: memref<3136xf32, #tpu.memory_space<vmem>>, %arg22: memref<3136xf32, #tpu.memory_space<vmem>>, %arg23: memref<3136xf32, #tpu.memory_space<vmem>>, %arg24: memref<3136xf32, #tpu.memory_space<vmem>>, %arg25: memref<3136xf32, #tpu.memory_space<vmem>>, %arg26: memref<!tpu.dma_semaphore, #tpu.memory_space<semaphore_mem>>, %arg27: memref<!tpu.dma_semaphore, #tpu.memory_space<semaphore_mem>>, %arg28: memref<!tpu.dma_semaphore, #tpu.memory_space<semaphore_mem>>, %arg29: memref<!tpu.dma_semaphore, #tpu.memory_space<semaphore_mem>>, %arg30: memref<!tpu.dma_semaphore, #tpu.memory_space<semaphore_mem>>, %arg31: memref<!tpu.dma_semaphore, #tpu.memory_space<semaphore_mem>>, %arg32: memref<!tpu.dma_semaphore, #tpu.memory_space<semaphore_mem>>, %arg33: memref<!tpu.dma_semaphore, #tpu.memory_space<semaphore_mem>>, %arg34: memref<!tpu.dma_semaphore, #tpu.memory_space<semaphore_mem>>, %arg35: memref<!tpu.dma_semaphore, #tpu.memory_space<semaphore_mem>>, %arg36: memref<!tpu.dma_semaphore, #tpu.memory_space<semaphore_mem>>, %arg37: memref<!tpu.dma_semaphore, #tpu.memory_space<semaphore_mem>>, %arg38: memref<!tpu.dma_semaphore, #tpu.memory_space<semaphore_mem>>, %arg39: memref<!tpu.dma_semaphore, #tpu.memory_space<semaphore_mem>>, %arg40: memref<!tpu.dma_semaphore, #tpu.memory_space<semaphore_mem>>, %arg41: memref<!tpu.dma_semaphore, #tpu.memory_space<semaphore_mem>>) attributes {dimension_semantics = [#tpu.dimension_semantics<core_parallel>, #tpu.dimension_semantics<subcore_parallel>], iteration_bounds = array<i64: 2, 16>, scalar_prefetch = 0 : i64, scratch_operands = 33 : i64, tpu.core_type = #tpu.core_type<sc_vector_subcore>, window_params = [{transform_indices = #map}, {transform_indices = #map}, {transform_indices = #map}, {transform_indices = #map}, {transform_indices = #map}, {transform_indices = #map}, {transform_indices = #map}]} {
    %mul3A = arith.constant 2 : i32
    %mul3A_0 = arith.muli %arg1, %mul3A : i32
    %add3A = arith.addi %mul3A_0, %arg0 : i32
    %mul3A_1 = arith.constant 12544 : i32
    %mul3A_2 = arith.muli %arg1, %mul3A_1 : i32
    %min3A = arith.constant 187456 : i32
    %min3A_3 = arith.minsi %mul3A_2, %min3A : i32
    %dma_start3A = tpu.memref_slice %arg2[%min3A_3] : memref<200000xi32, #tpu.memory_space<hbm>> -> memref<12544xi32, #tpu.memory_space<hbm>>
    %dma_start3A_4 = tpu.memref_slice %arg2[%min3A_3] : memref<200000xi32, #tpu.memory_space<hbm>> -> memref<12544xi32, #tpu.memory_space<hbm>>
    tpu.enqueue_dma source(%dma_start3A_4 : memref<12544xi32, #tpu.memory_space<hbm>>) target(%arg11 : memref<12544xi32, #tpu.memory_space<vmem>>) target_semaphore(%arg34 : memref<!tpu.dma_semaphore, #tpu.memory_space<semaphore_mem>>)
    %dma_start3A_5 = tpu.memref_slice %arg3[%min3A_3] : memref<200000xi32, #tpu.memory_space<hbm>> -> memref<12544xi32, #tpu.memory_space<hbm>>
    %dma_start3A_6 = tpu.memref_slice %arg3[%min3A_3] : memref<200000xi32, #tpu.memory_space<hbm>> -> memref<12544xi32, #tpu.memory_space<hbm>>
    tpu.enqueue_dma source(%dma_start3A_6 : memref<12544xi32, #tpu.memory_space<hbm>>) target(%arg12 : memref<12544xi32, #tpu.memory_space<vmem>>) target_semaphore(%arg35 : memref<!tpu.dma_semaphore, #tpu.memory_space<semaphore_mem>>)
    %dma_start3A_7 = tpu.memref_slice %arg4[%min3A_3] : memref<200000xf32, #tpu.memory_space<hbm>> -> memref<12544xf32, #tpu.memory_space<hbm>>
    %dma_start3A_8 = tpu.memref_slice %arg4[%min3A_3] : memref<200000xf32, #tpu.memory_space<hbm>> -> memref<12544xf32, #tpu.memory_space<hbm>>
    tpu.enqueue_dma source(%dma_start3A_8 : memref<12544xf32, #tpu.memory_space<hbm>>) target(%arg13 : memref<12544xf32, #tpu.memory_space<vmem>>) target_semaphore(%arg36 : memref<!tpu.dma_semaphore, #tpu.memory_space<semaphore_mem>>)
    %mul3A_9 = arith.constant 3136 : i32
    %mul3A_10 = arith.muli %add3A, %mul3A_9 : i32
    %min3A_11 = arith.constant 96864 : i32
    %min3A_12 = arith.minsi %mul3A_10, %min3A_11 : i32
    %add3A_13 = arith.constant 0 : i32
    %add3A_14 = arith.addi %add3A_13, %min3A_12 : i32
    %dma_start3A_15 = tpu.memref_slice %arg6[%add3A_14] : memref<400000xi32, #tpu.memory_space<hbm>> -> memref<3136xi32, #tpu.memory_space<hbm>>
    %dma_start3A_16 = tpu.memref_slice %arg6[%add3A_14] : memref<400000xi32, #tpu.memory_space<hbm>> -> memref<3136xi32, #tpu.memory_space<hbm>>
    tpu.enqueue_dma source(%dma_start3A_16 : memref<3136xi32, #tpu.memory_space<hbm>>) target(%arg17 : memref<3136xi32, #tpu.memory_space<vmem>>) target_semaphore(%arg30 : memref<!tpu.dma_semaphore, #tpu.memory_space<semaphore_mem>>)
    %add3A_17 = arith.constant 100000 : i32
    %add3A_18 = arith.addi %add3A_17, %min3A_12 : i32
    %dma_start3A_19 = tpu.memref_slice %arg6[%add3A_18] : memref<400000xi32, #tpu.memory_space<hbm>> -> memref<3136xi32, #tpu.memory_space<hbm>>
    %dma_start3A_20 = tpu.memref_slice %arg6[%add3A_18] : memref<400000xi32, #tpu.memory_space<hbm>> -> memref<3136xi32, #tpu.memory_space<hbm>>
    tpu.enqueue_dma source(%dma_start3A_20 : memref<3136xi32, #tpu.memory_space<hbm>>) target(%arg18 : memref<3136xi32, #tpu.memory_space<vmem>>) target_semaphore(%arg31 : memref<!tpu.dma_semaphore, #tpu.memory_space<semaphore_mem>>)
    %add3A_21 = arith.constant 200000 : i32
    %add3A_22 = arith.addi %add3A_21, %min3A_12 : i32
    %dma_start3A_23 = tpu.memref_slice %arg6[%add3A_22] : memref<400000xi32, #tpu.memory_space<hbm>> -> memref<3136xi32, #tpu.memory_space<hbm>>
    %dma_start3A_24 = tpu.memref_slice %arg6[%add3A_22] : memref<400000xi32, #tpu.memory_space<hbm>> -> memref<3136xi32, #tpu.memory_space<hbm>>
    tpu.enqueue_dma source(%dma_start3A_24 : memref<3136xi32, #tpu.memory_space<hbm>>) target(%arg19 : memref<3136xi32, #tpu.memory_space<vmem>>) target_semaphore(%arg32 : memref<!tpu.dma_semaphore, #tpu.memory_space<semaphore_mem>>)
    %add3A_25 = arith.constant 300000 : i32
    %add3A_26 = arith.addi %add3A_25, %min3A_12 : i32
    %dma_start3A_27 = tpu.memref_slice %arg6[%add3A_26] : memref<400000xi32, #tpu.memory_space<hbm>> -> memref<3136xi32, #tpu.memory_space<hbm>>
    %dma_start3A_28 = tpu.memref_slice %arg6[%add3A_26] : memref<400000xi32, #tpu.memory_space<hbm>> -> memref<3136xi32, #tpu.memory_space<hbm>>
    tpu.enqueue_dma source(%dma_start3A_28 : memref<3136xi32, #tpu.memory_space<hbm>>) target(%arg20 : memref<3136xi32, #tpu.memory_space<vmem>>) target_semaphore(%arg33 : memref<!tpu.dma_semaphore, #tpu.memory_space<semaphore_mem>>)
    %mul3A_29 = arith.constant 6256 : i32
    %mul3A_30 = arith.muli %arg1, %mul3A_29 : i32
    %min3A_31 = arith.constant 93744 : i32
    %min3A_32 = arith.minsi %mul3A_30, %min3A_31 : i32
    "tpu.region"() ({
      %run_scoped3A = tpu.sem_alloc : memref<!tpu.dma_semaphore, #tpu.memory_space<semaphore_mem>>
      %dma_start3A_426 = arith.constant 0 : i32
      %dma_start3A_427 = tpu.memref_slice %arg16[%dma_start3A_426] : memref<12544xf32, #tpu.memory_space<vmem>> -> memref<6256xf32, #tpu.memory_space<vmem>>
      %dma_start3A_428 = tpu.memref_slice %arg5[%min3A_32] : memref<100000xf32, #tpu.memory_space<hbm>> -> memref<6256xf32, #tpu.memory_space<hbm>>
      %dma_start3A_429 = arith.constant 0 : i32
      %dma_start3A_430 = tpu.memref_slice %arg16[%dma_start3A_429] : memref<12544xf32, #tpu.memory_space<vmem>> -> memref<6256xf32, #tpu.memory_space<vmem>>
      %dma_start3A_431 = tpu.memref_slice %arg5[%min3A_32] : memref<100000xf32, #tpu.memory_space<hbm>> -> memref<6256xf32, #tpu.memory_space<hbm>>
      tpu.enqueue_dma source(%dma_start3A_431 : memref<6256xf32, #tpu.memory_space<hbm>>) target(%dma_start3A_430 : memref<6256xf32, #tpu.memory_space<vmem>>) target_semaphore(%run_scoped3A : memref<!tpu.dma_semaphore, #tpu.memory_space<semaphore_mem>>)
      %dma_wait3A_432 = arith.constant 0 : i32
      %dma_wait3A_433 = tpu.memref_slice %arg16[%dma_wait3A_432] : memref<12544xf32, #tpu.memory_space<vmem>> -> memref<6256xf32, #tpu.memory_space<vmem>>
      %dma_wait3A_434 = tpu.memref_slice %arg5[%min3A_32] : memref<100000xf32, #tpu.memory_space<hbm>> -> memref<6256xf32, #tpu.memory_space<hbm>>
      %dma_wait3A_435 = arith.constant 0 : i32
      %dma_wait3A_436 = tpu.memref_slice %arg16[%dma_wait3A_435] : memref<12544xf32, #tpu.memory_space<vmem>> -> memref<6256xf32, #tpu.memory_space<vmem>>
      %dma_wait3A_437 = tpu.memref_slice %arg5[%min3A_32] : memref<100000xf32, #tpu.memory_space<hbm>> -> memref<6256xf32, #tpu.memory_space<hbm>>
      tpu.wait_dma2 semaphore(%run_scoped3A : memref<!tpu.dma_semaphore, #tpu.memory_space<semaphore_mem>>) src(%dma_wait3A_437 : memref<6256xf32, #tpu.memory_space<hbm>>) dst(%dma_wait3A_436 : memref<6256xf32, #tpu.memory_space<vmem>>)
      tpu.yield
    }) : () -> ()
    %dma_start3A_33 = arith.constant 0 : i32
    %dma_start3A_34 = tpu.memref_slice %arg16[%dma_start3A_33] : memref<12544xf32, #tpu.memory_space<vmem>> -> memref<6256xf32, #tpu.memory_space<vmem>>
    %dma_start3A_35 = tpu.memref_slice %arg9[%min3A_32] : memref<100000xf32, #tpu.memory_space<vmem_shared>> -> memref<6256xf32, #tpu.memory_space<vmem_shared>>
    %dma_start3A_36 = tpu.memref_slice %arg9[%min3A_32] : memref<100000xf32, #tpu.memory_space<vmem_shared>> -> memref<6256xf32, #tpu.memory_space<vmem_shared>>
    %dma_start3A_37 = arith.constant 0 : i32
    %dma_start3A_38 = tpu.memref_slice %arg16[%dma_start3A_37] : memref<12544xf32, #tpu.memory_space<vmem>> -> memref<6256xf32, #tpu.memory_space<vmem>>
    tpu.enqueue_dma source(%dma_start3A_38 : memref<6256xf32, #tpu.memory_space<vmem>>) target(%dma_start3A_36 : memref<6256xf32, #tpu.memory_space<vmem_shared>>) target_semaphore(%arg38 : memref<!tpu.dma_semaphore, #tpu.memory_space<semaphore_mem>>)
    %dma_wait3A = arith.constant 0 : i32
    %dma_wait3A_39 = tpu.memref_slice %arg16[%dma_wait3A] : memref<12544xf32, #tpu.memory_space<vmem>> -> memref<6256xf32, #tpu.memory_space<vmem>>
    %dma_wait3A_40 = tpu.memref_slice %arg9[%min3A_32] : memref<100000xf32, #tpu.memory_space<vmem_shared>> -> memref<6256xf32, #tpu.memory_space<vmem_shared>>
    %dma_wait3A_41 = tpu.memref_slice %arg9[%min3A_32] : memref<100000xf32, #tpu.memory_space<vmem_shared>> -> memref<6256xf32, #tpu.memory_space<vmem_shared>>
    %dma_wait3A_42 = arith.constant 0 : i32
    %dma_wait3A_43 = tpu.memref_slice %arg16[%dma_wait3A_42] : memref<12544xf32, #tpu.memory_space<vmem>> -> memref<6256xf32, #tpu.memory_space<vmem>>
    tpu.wait_dma2 semaphore(%arg38 : memref<!tpu.dma_semaphore, #tpu.memory_space<semaphore_mem>>) src(%dma_wait3A_43 : memref<6256xf32, #tpu.memory_space<vmem>>) dst(%dma_wait3A_41 : memref<6256xf32, #tpu.memory_space<vmem_shared>>)
    %barrier3A = arith.constant 0 : index
    tpu.barrier barrier_id(%barrier3A)
    %dma_wait3A_44 = tpu.memref_slice %arg2[%min3A_3] : memref<200000xi32, #tpu.memory_space<hbm>> -> memref<12544xi32, #tpu.memory_space<hbm>>
    %dma_wait3A_45 = tpu.memref_slice %arg2[%min3A_3] : memref<200000xi32, #tpu.memory_space<hbm>> -> memref<12544xi32, #tpu.memory_space<hbm>>
    tpu.wait_dma2 semaphore(%arg34 : memref<!tpu.dma_semaphore, #tpu.memory_space<semaphore_mem>>) src(%dma_wait3A_45 : memref<12544xi32, #tpu.memory_space<hbm>>) dst(%arg11 : memref<12544xi32, #tpu.memory_space<vmem>>)
    %dma_wait3A_46 = tpu.memref_slice %arg3[%min3A_3] : memref<200000xi32, #tpu.memory_space<hbm>> -> memref<12544xi32, #tpu.memory_space<hbm>>
    %dma_wait3A_47 = tpu.memref_slice %arg3[%min3A_3] : memref<200000xi32, #tpu.memory_space<hbm>> -> memref<12544xi32, #tpu.memory_space<hbm>>
    tpu.wait_dma2 semaphore(%arg35 : memref<!tpu.dma_semaphore, #tpu.memory_space<semaphore_mem>>) src(%dma_wait3A_47 : memref<12544xi32, #tpu.memory_space<hbm>>) dst(%arg12 : memref<12544xi32, #tpu.memory_space<vmem>>)
    %dma_wait3A_48 = tpu.memref_slice %arg4[%min3A_3] : memref<200000xf32, #tpu.memory_space<hbm>> -> memref<12544xf32, #tpu.memory_space<hbm>>
    %dma_wait3A_49 = tpu.memref_slice %arg4[%min3A_3] : memref<200000xf32, #tpu.memory_space<hbm>> -> memref<12544xf32, #tpu.memory_space<hbm>>
    tpu.wait_dma2 semaphore(%arg36 : memref<!tpu.dma_semaphore, #tpu.memory_space<semaphore_mem>>) src(%dma_wait3A_49 : memref<12544xf32, #tpu.memory_space<hbm>>) dst(%arg13 : memref<12544xf32, #tpu.memory_space<vmem>>)
    %dma_start3A_50 = arith.constant 0 : i32
    %dma_start3A_51 = tpu.memref_slice %arg14[%dma_start3A_50] : memref<12544xf32, #tpu.memory_space<vmem>> -> memref<3136xf32, #tpu.memory_space<vmem>>
    %dma_start3A_52 = arith.constant 0 : i32
    %dma_start3A_53 = tpu.memref_slice %arg11[%dma_start3A_52] : memref<12544xi32, #tpu.memory_space<vmem>> -> memref<3136xi32, #tpu.memory_space<vmem>>
    %dma_start3A_54 = arith.constant 0 : i32
    %dma_start3A_55 = tpu.memref_slice %arg9[%dma_start3A_54] : memref<100000xf32, #tpu.memory_space<vmem_shared>> -> memref<100000xf32, #tpu.memory_space<vmem_shared>>
    tpu.enqueue_indirect_dma source(%dma_start3A_55 : memref<100000xf32, #tpu.memory_space<vmem_shared>>) target(%dma_start3A_51 : memref<3136xf32, #tpu.memory_space<vmem>>) offsets(%dma_start3A_53 : memref<3136xi32, #tpu.memory_space<vmem>>) semaphore(%arg26 : memref<!tpu.dma_semaphore, #tpu.memory_space<semaphore_mem>>)
    %dma_start3A_56 = arith.constant 3136 : i32
    %dma_start3A_57 = tpu.memref_slice %arg14[%dma_start3A_56] : memref<12544xf32, #tpu.memory_space<vmem>> -> memref<3136xf32, #tpu.memory_space<vmem>>
    %dma_start3A_58 = arith.constant 3136 : i32
    %dma_start3A_59 = tpu.memref_slice %arg11[%dma_start3A_58] : memref<12544xi32, #tpu.memory_space<vmem>> -> memref<3136xi32, #tpu.memory_space<vmem>>
    %dma_start3A_60 = arith.constant 0 : i32
    %dma_start3A_61 = tpu.memref_slice %arg9[%dma_start3A_60] : memref<100000xf32, #tpu.memory_space<vmem_shared>> -> memref<100000xf32, #tpu.memory_space<vmem_shared>>
    tpu.enqueue_indirect_dma source(%dma_start3A_61 : memref<100000xf32, #tpu.memory_space<vmem_shared>>) target(%dma_start3A_57 : memref<3136xf32, #tpu.memory_space<vmem>>) offsets(%dma_start3A_59 : memref<3136xi32, #tpu.memory_space<vmem>>) semaphore(%arg27 : memref<!tpu.dma_semaphore, #tpu.memory_space<semaphore_mem>>)
    %dma_start3A_62 = arith.constant 6272 : i32
    %dma_start3A_63 = tpu.memref_slice %arg14[%dma_start3A_62] : memref<12544xf32, #tpu.memory_space<vmem>> -> memref<3136xf32, #tpu.memory_space<vmem>>
    %dma_start3A_64 = arith.constant 6272 : i32
    %dma_start3A_65 = tpu.memref_slice %arg11[%dma_start3A_64] : memref<12544xi32, #tpu.memory_space<vmem>> -> memref<3136xi32, #tpu.memory_space<vmem>>
    %dma_start3A_66 = arith.constant 0 : i32
    %dma_start3A_67 = tpu.memref_slice %arg9[%dma_start3A_66] : memref<100000xf32, #tpu.memory_space<vmem_shared>> -> memref<100000xf32, #tpu.memory_space<vmem_shared>>
    tpu.enqueue_indirect_dma source(%dma_start3A_67 : memref<100000xf32, #tpu.memory_space<vmem_shared>>) target(%dma_start3A_63 : memref<3136xf32, #tpu.memory_space<vmem>>) offsets(%dma_start3A_65 : memref<3136xi32, #tpu.memory_space<vmem>>) semaphore(%arg28 : memref<!tpu.dma_semaphore, #tpu.memory_space<semaphore_mem>>)
    %dma_start3A_68 = arith.constant 9408 : i32
    %dma_start3A_69 = tpu.memref_slice %arg14[%dma_start3A_68] : memref<12544xf32, #tpu.memory_space<vmem>> -> memref<3136xf32, #tpu.memory_space<vmem>>
    %dma_start3A_70 = arith.constant 9408 : i32
    %dma_start3A_71 = tpu.memref_slice %arg11[%dma_start3A_70] : memref<12544xi32, #tpu.memory_space<vmem>> -> memref<3136xi32, #tpu.memory_space<vmem>>
    %dma_start3A_72 = arith.constant 0 : i32
    %dma_start3A_73 = tpu.memref_slice %arg9[%dma_start3A_72] : memref<100000xf32, #tpu.memory_space<vmem_shared>> -> memref<100000xf32, #tpu.memory_space<vmem_shared>>
    tpu.enqueue_indirect_dma source(%dma_start3A_73 : memref<100000xf32, #tpu.memory_space<vmem_shared>>) target(%dma_start3A_69 : memref<3136xf32, #tpu.memory_space<vmem>>) offsets(%dma_start3A_71 : memref<3136xi32, #tpu.memory_space<vmem>>) semaphore(%arg29 : memref<!tpu.dma_semaphore, #tpu.memory_space<semaphore_mem>>)
    %dma_start3A_74 = arith.constant 0 : i32
    %dma_start3A_75 = tpu.memref_slice %arg15[%dma_start3A_74] : memref<12544xf32, #tpu.memory_space<vmem>> -> memref<3136xf32, #tpu.memory_space<vmem>>
    %dma_start3A_76 = arith.constant 0 : i32
    %dma_start3A_77 = tpu.memref_slice %arg12[%dma_start3A_76] : memref<12544xi32, #tpu.memory_space<vmem>> -> memref<3136xi32, #tpu.memory_space<vmem>>
    %dma_start3A_78 = arith.constant 0 : i32
    %dma_start3A_79 = tpu.memref_slice %arg9[%dma_start3A_78] : memref<100000xf32, #tpu.memory_space<vmem_shared>> -> memref<100000xf32, #tpu.memory_space<vmem_shared>>
    tpu.enqueue_indirect_dma source(%dma_start3A_79 : memref<100000xf32, #tpu.memory_space<vmem_shared>>) target(%dma_start3A_75 : memref<3136xf32, #tpu.memory_space<vmem>>) offsets(%dma_start3A_77 : memref<3136xi32, #tpu.memory_space<vmem>>) semaphore(%arg34 : memref<!tpu.dma_semaphore, #tpu.memory_space<semaphore_mem>>)
    %dma_start3A_80 = arith.constant 3136 : i32
    %dma_start3A_81 = tpu.memref_slice %arg15[%dma_start3A_80] : memref<12544xf32, #tpu.memory_space<vmem>> -> memref<3136xf32, #tpu.memory_space<vmem>>
    %dma_start3A_82 = arith.constant 3136 : i32
    %dma_start3A_83 = tpu.memref_slice %arg12[%dma_start3A_82] : memref<12544xi32, #tpu.memory_space<vmem>> -> memref<3136xi32, #tpu.memory_space<vmem>>
    %dma_start3A_84 = arith.constant 0 : i32
    %dma_start3A_85 = tpu.memref_slice %arg9[%dma_start3A_84] : memref<100000xf32, #tpu.memory_space<vmem_shared>> -> memref<100000xf32, #tpu.memory_space<vmem_shared>>
    tpu.enqueue_indirect_dma source(%dma_start3A_85 : memref<100000xf32, #tpu.memory_space<vmem_shared>>) target(%dma_start3A_81 : memref<3136xf32, #tpu.memory_space<vmem>>) offsets(%dma_start3A_83 : memref<3136xi32, #tpu.memory_space<vmem>>) semaphore(%arg35 : memref<!tpu.dma_semaphore, #tpu.memory_space<semaphore_mem>>)
    %dma_start3A_86 = arith.constant 6272 : i32
    %dma_start3A_87 = tpu.memref_slice %arg15[%dma_start3A_86] : memref<12544xf32, #tpu.memory_space<vmem>> -> memref<3136xf32, #tpu.memory_space<vmem>>
    %dma_start3A_88 = arith.constant 6272 : i32
    %dma_start3A_89 = tpu.memref_slice %arg12[%dma_start3A_88] : memref<12544xi32, #tpu.memory_space<vmem>> -> memref<3136xi32, #tpu.memory_space<vmem>>
    %dma_start3A_90 = arith.constant 0 : i32
    %dma_start3A_91 = tpu.memref_slice %arg9[%dma_start3A_90] : memref<100000xf32, #tpu.memory_space<vmem_shared>> -> memref<100000xf32, #tpu.memory_space<vmem_shared>>
    tpu.enqueue_indirect_dma source(%dma_start3A_91 : memref<100000xf32, #tpu.memory_space<vmem_shared>>) target(%dma_start3A_87 : memref<3136xf32, #tpu.memory_space<vmem>>) offsets(%dma_start3A_89 : memref<3136xi32, #tpu.memory_space<vmem>>) semaphore(%arg36 : memref<!tpu.dma_semaphore, #tpu.memory_space<semaphore_mem>>)
    %dma_start3A_92 = arith.constant 9408 : i32
    %dma_start3A_93 = tpu.memref_slice %arg15[%dma_start3A_92] : memref<12544xf32, #tpu.memory_space<vmem>> -> memref<3136xf32, #tpu.memory_space<vmem>>
    %dma_start3A_94 = arith.constant 9408 : i32
    %dma_start3A_95 = tpu.memref_slice %arg12[%dma_start3A_94] : memref<12544xi32, #tpu.memory_space<vmem>> -> memref<3136xi32, #tpu.memory_space<vmem>>
    %dma_start3A_96 = arith.constant 0 : i32
    %dma_start3A_97 = tpu.memref_slice %arg5[%dma_start3A_96] : memref<100000xf32, #tpu.memory_space<hbm>> -> memref<100000xf32, #tpu.memory_space<hbm>>
    tpu.enqueue_indirect_dma source(%dma_start3A_97 : memref<100000xf32, #tpu.memory_space<hbm>>) target(%dma_start3A_93 : memref<3136xf32, #tpu.memory_space<vmem>>) offsets(%dma_start3A_95 : memref<3136xi32, #tpu.memory_space<vmem>>) semaphore(%arg37 : memref<!tpu.dma_semaphore, #tpu.memory_space<semaphore_mem>>)
    %dma_wait3A_98 = arith.constant 0 : i32
    %dma_wait3A_99 = tpu.memref_slice %arg14[%dma_wait3A_98] : memref<12544xf32, #tpu.memory_space<vmem>> -> memref<3136xf32, #tpu.memory_space<vmem>>
    %dma_wait3A_100 = arith.constant 0 : i32
    %dma_wait3A_101 = tpu.memref_slice %arg11[%dma_wait3A_100] : memref<12544xi32, #tpu.memory_space<vmem>> -> memref<3136xi32, #tpu.memory_space<vmem>>
    %dma_wait3A_102 = arith.constant 0 : i32
    %dma_wait3A_103 = tpu.memref_slice %arg9[%dma_wait3A_102] : memref<100000xf32, #tpu.memory_space<vmem_shared>> -> memref<100000xf32, #tpu.memory_space<vmem_shared>>
    tpu.wait_indirect_dma semaphore(%arg26 : memref<!tpu.dma_semaphore, #tpu.memory_space<semaphore_mem>>) src(%dma_wait3A_103 : memref<100000xf32, #tpu.memory_space<vmem_shared>>) dst(%dma_wait3A_99 : memref<3136xf32, #tpu.memory_space<vmem>>)
    %dma_wait3A_104 = arith.constant 0 : i32
    %dma_wait3A_105 = tpu.memref_slice %arg15[%dma_wait3A_104] : memref<12544xf32, #tpu.memory_space<vmem>> -> memref<3136xf32, #tpu.memory_space<vmem>>
    %dma_wait3A_106 = arith.constant 0 : i32
    %dma_wait3A_107 = tpu.memref_slice %arg12[%dma_wait3A_106] : memref<12544xi32, #tpu.memory_space<vmem>> -> memref<3136xi32, #tpu.memory_space<vmem>>
    %dma_wait3A_108 = arith.constant 0 : i32
    %dma_wait3A_109 = tpu.memref_slice %arg9[%dma_wait3A_108] : memref<100000xf32, #tpu.memory_space<vmem_shared>> -> memref<100000xf32, #tpu.memory_space<vmem_shared>>
    tpu.wait_indirect_dma semaphore(%arg34 : memref<!tpu.dma_semaphore, #tpu.memory_space<semaphore_mem>>) src(%dma_wait3A_109 : memref<100000xf32, #tpu.memory_space<vmem_shared>>) dst(%dma_wait3A_105 : memref<3136xf32, #tpu.memory_space<vmem>>)
    %scan3A = arith.constant 0 : i32
    %scan3A_110 = arith.constant 0 : i32
    %scan3A_111 = arith.constant 196 : i32
    %scan3A_112 = arith.addi %scan3A_110, %scan3A_111 : i32
    %scan3A_113 = arith.constant 1 : i32
    scf.for %scan3A_426 = %scan3A_110 to %scan3A_112 step %scan3A_113  : i32 {
      %mul3A_427 = arith.constant 16 : i32
      %mul3A_428 = arith.muli %scan3A_426, %mul3A_427 : i32
      %get3A = arith.index_cast %mul3A_428 : i32 to index
      %get3A_429 = tpu.vector_load %arg14[%get3A] {strides = array<i32>} : memref<12544xf32, #tpu.memory_space<vmem>>, vector<16xf32>,
      %get3A_430 = arith.index_cast %mul3A_428 : i32 to index
      %get3A_431 = tpu.vector_load %arg15[%get3A_430] {strides = array<i32>} : memref<12544xf32, #tpu.memory_space<vmem>>, vector<16xf32>,
      %sub3A = arith.subf %get3A_429, %get3A_431 : vector<16xf32>
      %get3A_432 = arith.index_cast %mul3A_428 : i32 to index
      %get3A_433 = tpu.vector_load %arg13[%get3A_432] {strides = array<i32>} : memref<12544xf32, #tpu.memory_space<vmem>>, vector<16xf32>,
      %div3A = arith.divf %sub3A, %get3A_433 : vector<16xf32>
      %swap3A = arith.index_cast %mul3A_428 : i32 to index
      %swap3A_434 = tpu.vector_load %arg16[%swap3A] {strides = array<i32>} : memref<12544xf32, #tpu.memory_space<vmem>>, vector<16xf32>,
      tpu.vector_store %arg16[%swap3A], %div3A {strides = array<i32>} : memref<12544xf32, #tpu.memory_space<vmem>>, vector<16xf32>,
    }
    %scan3A_114 = arith.constant 196 : i32
    %add3A_115 = arith.constant 0 : i32
    %add3A_116 = arith.addi %min3A_3, %add3A_115 : i32
    %dma_start3A_117 = arith.constant 0 : i32
    %dma_start3A_118 = tpu.memref_slice %arg16[%dma_start3A_117] : memref<12544xf32, #tpu.memory_space<vmem>> -> memref<3136xf32, #tpu.memory_space<vmem>>
    %dma_start3A_119 = tpu.memref_slice %arg10[%add3A_116] : memref<200000xf32, #tpu.memory_space<vmem_shared>> -> memref<3136xf32, #tpu.memory_space<vmem_shared>>
    %dma_start3A_120 = tpu.memref_slice %arg10[%add3A_116] : memref<200000xf32, #tpu.memory_space<vmem_shared>> -> memref<3136xf32, #tpu.memory_space<vmem_shared>>
    %dma_start3A_121 = arith.constant 0 : i32
    %dma_start3A_122 = tpu.memref_slice %arg16[%dma_start3A_121] : memref<12544xf32, #tpu.memory_space<vmem>> -> memref<3136xf32, #tpu.memory_space<vmem>>
    tpu.enqueue_dma source(%dma_start3A_122 : memref<3136xf32, #tpu.memory_space<vmem>>) target(%dma_start3A_120 : memref<3136xf32, #tpu.memory_space<vmem_shared>>) target_semaphore(%arg26 : memref<!tpu.dma_semaphore, #tpu.memory_space<semaphore_mem>>)
    %add3A_123 = arith.constant 0 : i32
    %add3A_124 = arith.addi %min3A_3, %add3A_123 : i32
    %dma_start3A_125 = arith.constant 0 : i32
    %dma_start3A_126 = tpu.memref_slice %arg16[%dma_start3A_125] : memref<12544xf32, #tpu.memory_space<vmem>> -> memref<3136xf32, #tpu.memory_space<vmem>>
    %dma_start3A_127 = tpu.memref_slice %arg8[%add3A_124] : memref<200000xf32, #tpu.memory_space<hbm>> -> memref<3136xf32, #tpu.memory_space<hbm>>
    %dma_start3A_128 = tpu.memref_slice %arg8[%add3A_124] : memref<200000xf32, #tpu.memory_space<hbm>> -> memref<3136xf32, #tpu.memory_space<hbm>>
    %dma_start3A_129 = arith.constant 0 : i32
    %dma_start3A_130 = tpu.memref_slice %arg16[%dma_start3A_129] : memref<12544xf32, #tpu.memory_space<vmem>> -> memref<3136xf32, #tpu.memory_space<vmem>>
    tpu.enqueue_dma source(%dma_start3A_130 : memref<3136xf32, #tpu.memory_space<vmem>>) target(%dma_start3A_128 : memref<3136xf32, #tpu.memory_space<hbm>>) target_semaphore(%arg38 : memref<!tpu.dma_semaphore, #tpu.memory_space<semaphore_mem>>)
    %dma_wait3A_131 = arith.constant 3136 : i32
    %dma_wait3A_132 = tpu.memref_slice %arg14[%dma_wait3A_131] : memref<12544xf32, #tpu.memory_space<vmem>> -> memref<3136xf32, #tpu.memory_space<vmem>>
    %dma_wait3A_133 = arith.constant 3136 : i32
    %dma_wait3A_134 = tpu.memref_slice %arg11[%dma_wait3A_133] : memref<12544xi32, #tpu.memory_space<vmem>> -> memref<3136xi32, #tpu.memory_space<vmem>>
    %dma_wait3A_135 = arith.constant 0 : i32
    %dma_wait3A_136 = tpu.memref_slice %arg9[%dma_wait3A_135] : memref<100000xf32, #tpu.memory_space<vmem_shared>> -> memref<100000xf32, #tpu.memory_space<vmem_shared>>
    tpu.wait_indirect_dma semaphore(%arg27 : memref<!tpu.dma_semaphore, #tpu.memory_space<semaphore_mem>>) src(%dma_wait3A_136 : memref<100000xf32, #tpu.memory_space<vmem_shared>>) dst(%dma_wait3A_132 : memref<3136xf32, #tpu.memory_space<vmem>>)
    %dma_wait3A_137 = arith.constant 3136 : i32
    %dma_wait3A_138 = tpu.memref_slice %arg15[%dma_wait3A_137] : memref<12544xf32, #tpu.memory_space<vmem>> -> memref<3136xf32, #tpu.memory_space<vmem>>
    %dma_wait3A_139 = arith.constant 3136 : i32
    %dma_wait3A_140 = tpu.memref_slice %arg12[%dma_wait3A_139] : memref<12544xi32, #tpu.memory_space<vmem>> -> memref<3136xi32, #tpu.memory_space<vmem>>
    %dma_wait3A_141 = arith.constant 0 : i32
    %dma_wait3A_142 = tpu.memref_slice %arg9[%dma_wait3A_141] : memref<100000xf32, #tpu.memory_space<vmem_shared>> -> memref<100000xf32, #tpu.memory_space<vmem_shared>>
    tpu.wait_indirect_dma semaphore(%arg35 : memref<!tpu.dma_semaphore, #tpu.memory_space<semaphore_mem>>) src(%dma_wait3A_142 : memref<100000xf32, #tpu.memory_space<vmem_shared>>) dst(%dma_wait3A_138 : memref<3136xf32, #tpu.memory_space<vmem>>)
    %scan3A_143 = arith.constant 0 : i32
    %scan3A_144 = arith.constant 196 : i32
    %scan3A_145 = arith.constant 196 : i32
    %scan3A_146 = arith.addi %scan3A_144, %scan3A_145 : i32
    %scan3A_147 = arith.constant 1 : i32
    scf.for %scan3A_426 = %scan3A_144 to %scan3A_146 step %scan3A_147  : i32 {
      %mul3A_427 = arith.constant 16 : i32
      %mul3A_428 = arith.muli %scan3A_426, %mul3A_427 : i32
      %get3A = arith.index_cast %mul3A_428 : i32 to index
      %get3A_429 = tpu.vector_load %arg14[%get3A] {strides = array<i32>} : memref<12544xf32, #tpu.memory_space<vmem>>, vector<16xf32>,
      %get3A_430 = arith.index_cast %mul3A_428 : i32 to index
      %get3A_431 = tpu.vector_load %arg15[%get3A_430] {strides = array<i32>} : memref<12544xf32, #tpu.memory_space<vmem>>, vector<16xf32>,
      %sub3A = arith.subf %get3A_429, %get3A_431 : vector<16xf32>
      %get3A_432 = arith.index_cast %mul3A_428 : i32 to index
      %get3A_433 = tpu.vector_load %arg13[%get3A_432] {strides = array<i32>} : memref<12544xf32, #tpu.memory_space<vmem>>, vector<16xf32>,
      %div3A = arith.divf %sub3A, %get3A_433 : vector<16xf32>
      %swap3A = arith.index_cast %mul3A_428 : i32 to index
      %swap3A_434 = tpu.vector_load %arg16[%swap3A] {strides = array<i32>} : memref<12544xf32, #tpu.memory_space<vmem>>, vector<16xf32>,
      tpu.vector_store %arg16[%swap3A], %div3A {strides = array<i32>} : memref<12544xf32, #tpu.memory_space<vmem>>, vector<16xf32>,
    }
    %scan3A_148 = arith.constant 196 : i32
    %add3A_149 = arith.constant 3136 : i32
    %add3A_150 = arith.addi %min3A_3, %add3A_149 : i32
    %dma_start3A_151 = arith.constant 3136 : i32
    %dma_start3A_152 = tpu.memref_slice %arg16[%dma_start3A_151] : memref<12544xf32, #tpu.memory_space<vmem>> -> memref<3136xf32, #tpu.memory_space<vmem>>
    %dma_start3A_153 = tpu.memref_slice %arg10[%add3A_150] : memref<200000xf32, #tpu.memory_space<vmem_shared>> -> memref<3136xf32, #tpu.memory_space<vmem_shared>>
    %dma_start3A_154 = tpu.memref_slice %arg10[%add3A_150] : memref<200000xf32, #tpu.memory_space<vmem_shared>> -> memref<3136xf32, #tpu.memory_space<vmem_shared>>
    %dma_start3A_155 = arith.constant 3136 : i32
    %dma_start3A_156 = tpu.memref_slice %arg16[%dma_start3A_155] : memref<12544xf32, #tpu.memory_space<vmem>> -> memref<3136xf32, #tpu.memory_space<vmem>>
    tpu.enqueue_dma source(%dma_start3A_156 : memref<3136xf32, #tpu.memory_space<vmem>>) target(%dma_start3A_154 : memref<3136xf32, #tpu.memory_space<vmem_shared>>) target_semaphore(%arg27 : memref<!tpu.dma_semaphore, #tpu.memory_space<semaphore_mem>>)
    %add3A_157 = arith.constant 3136 : i32
    %add3A_158 = arith.addi %min3A_3, %add3A_157 : i32
    %dma_start3A_159 = arith.constant 3136 : i32
    %dma_start3A_160 = tpu.memref_slice %arg16[%dma_start3A_159] : memref<12544xf32, #tpu.memory_space<vmem>> -> memref<3136xf32, #tpu.memory_space<vmem>>
    %dma_start3A_161 = tpu.memref_slice %arg8[%add3A_158] : memref<200000xf32, #tpu.memory_space<hbm>> -> memref<3136xf32, #tpu.memory_space<hbm>>
    %dma_start3A_162 = tpu.memref_slice %arg8[%add3A_158] : memref<200000xf32, #tpu.memory_space<hbm>> -> memref<3136xf32, #tpu.memory_space<hbm>>
    %dma_start3A_163 = arith.constant 3136 : i32
    %dma_start3A_164 = tpu.memref_slice %arg16[%dma_start3A_163] : memref<12544xf32, #tpu.memory_space<vmem>> -> memref<3136xf32, #tpu.memory_space<vmem>>
    tpu.enqueue_dma source(%dma_start3A_164 : memref<3136xf32, #tpu.memory_space<vmem>>) target(%dma_start3A_162 : memref<3136xf32, #tpu.memory_space<hbm>>) target_semaphore(%arg39 : memref<!tpu.dma_semaphore, #tpu.memory_space<semaphore_mem>>)
    %dma_wait3A_165 = arith.constant 6272 : i32
    %dma_wait3A_166 = tpu.memref_slice %arg14[%dma_wait3A_165] : memref<12544xf32, #tpu.memory_space<vmem>> -> memref<3136xf32, #tpu.memory_space<vmem>>
    %dma_wait3A_167 = arith.constant 6272 : i32
    %dma_wait3A_168 = tpu.memref_slice %arg11[%dma_wait3A_167] : memref<12544xi32, #tpu.memory_space<vmem>> -> memref<3136xi32, #tpu.memory_space<vmem>>
    %dma_wait3A_169 = arith.constant 0 : i32
    %dma_wait3A_170 = tpu.memref_slice %arg9[%dma_wait3A_169] : memref<100000xf32, #tpu.memory_space<vmem_shared>> -> memref<100000xf32, #tpu.memory_space<vmem_shared>>
    tpu.wait_indirect_dma semaphore(%arg28 : memref<!tpu.dma_semaphore, #tpu.memory_space<semaphore_mem>>) src(%dma_wait3A_170 : memref<100000xf32, #tpu.memory_space<vmem_shared>>) dst(%dma_wait3A_166 : memref<3136xf32, #tpu.memory_space<vmem>>)
    %dma_wait3A_171 = arith.constant 6272 : i32
    %dma_wait3A_172 = tpu.memref_slice %arg15[%dma_wait3A_171] : memref<12544xf32, #tpu.memory_space<vmem>> -> memref<3136xf32, #tpu.memory_space<vmem>>
    %dma_wait3A_173 = arith.constant 6272 : i32
    %dma_wait3A_174 = tpu.memref_slice %arg12[%dma_wait3A_173] : memref<12544xi32, #tpu.memory_space<vmem>> -> memref<3136xi32, #tpu.memory_space<vmem>>
    %dma_wait3A_175 = arith.constant 0 : i32
    %dma_wait3A_176 = tpu.memref_slice %arg9[%dma_wait3A_175] : memref<100000xf32, #tpu.memory_space<vmem_shared>> -> memref<100000xf32, #tpu.memory_space<vmem_shared>>
    tpu.wait_indirect_dma semaphore(%arg36 : memref<!tpu.dma_semaphore, #tpu.memory_space<semaphore_mem>>) src(%dma_wait3A_176 : memref<100000xf32, #tpu.memory_space<vmem_shared>>) dst(%dma_wait3A_172 : memref<3136xf32, #tpu.memory_space<vmem>>)
    %scan3A_177 = arith.constant 0 : i32
    %scan3A_178 = arith.constant 392 : i32
    %scan3A_179 = arith.constant 196 : i32
    %scan3A_180 = arith.addi %scan3A_178, %scan3A_179 : i32
    %scan3A_181 = arith.constant 1 : i32
    scf.for %scan3A_426 = %scan3A_178 to %scan3A_180 step %scan3A_181  : i32 {
      %mul3A_427 = arith.constant 16 : i32
      %mul3A_428 = arith.muli %scan3A_426, %mul3A_427 : i32
      %get3A = arith.index_cast %mul3A_428 : i32 to index
      %get3A_429 = tpu.vector_load %arg14[%get3A] {strides = array<i32>} : memref<12544xf32, #tpu.memory_space<vmem>>, vector<16xf32>,
      %get3A_430 = arith.index_cast %mul3A_428 : i32 to index
      %get3A_431 = tpu.vector_load %arg15[%get3A_430] {strides = array<i32>} : memref<12544xf32, #tpu.memory_space<vmem>>, vector<16xf32>,
      %sub3A = arith.subf %get3A_429, %get3A_431 : vector<16xf32>
      %get3A_432 = arith.index_cast %mul3A_428 : i32 to index
      %get3A_433 = tpu.vector_load %arg13[%get3A_432] {strides = array<i32>} : memref<12544xf32, #tpu.memory_space<vmem>>, vector<16xf32>,
      %div3A = arith.divf %sub3A, %get3A_433 : vector<16xf32>
      %swap3A = arith.index_cast %mul3A_428 : i32 to index
      %swap3A_434 = tpu.vector_load %arg16[%swap3A] {strides = array<i32>} : memref<12544xf32, #tpu.memory_space<vmem>>, vector<16xf32>,
      tpu.vector_store %arg16[%swap3A], %div3A {strides = array<i32>} : memref<12544xf32, #tpu.memory_space<vmem>>, vector<16xf32>,
    }
    %scan3A_182 = arith.constant 196 : i32
    %add3A_183 = arith.constant 6272 : i32
    %add3A_184 = arith.addi %min3A_3, %add3A_183 : i32
    %dma_start3A_185 = arith.constant 6272 : i32
    %dma_start3A_186 = tpu.memref_slice %arg16[%dma_start3A_185] : memref<12544xf32, #tpu.memory_space<vmem>> -> memref<3136xf32, #tpu.memory_space<vmem>>
    %dma_start3A_187 = tpu.memref_slice %arg10[%add3A_184] : memref<200000xf32, #tpu.memory_space<vmem_shared>> -> memref<3136xf32, #tpu.memory_space<vmem_shared>>
    %dma_start3A_188 = tpu.memref_slice %arg10[%add3A_184] : memref<200000xf32, #tpu.memory_space<vmem_shared>> -> memref<3136xf32, #tpu.memory_space<vmem_shared>>
    %dma_start3A_189 = arith.constant 6272 : i32
    %dma_start3A_190 = tpu.memref_slice %arg16[%dma_start3A_189] : memref<12544xf32, #tpu.memory_space<vmem>> -> memref<3136xf32, #tpu.memory_space<vmem>>
    tpu.enqueue_dma source(%dma_start3A_190 : memref<3136xf32, #tpu.memory_space<vmem>>) target(%dma_start3A_188 : memref<3136xf32, #tpu.memory_space<vmem_shared>>) target_semaphore(%arg28 : memref<!tpu.dma_semaphore, #tpu.memory_space<semaphore_mem>>)
    %add3A_191 = arith.constant 6272 : i32
    %add3A_192 = arith.addi %min3A_3, %add3A_191 : i32
    %dma_start3A_193 = arith.constant 6272 : i32
    %dma_start3A_194 = tpu.memref_slice %arg16[%dma_start3A_193] : memref<12544xf32, #tpu.memory_space<vmem>> -> memref<3136xf32, #tpu.memory_space<vmem>>
    %dma_start3A_195 = tpu.memref_slice %arg8[%add3A_192] : memref<200000xf32, #tpu.memory_space<hbm>> -> memref<3136xf32, #tpu.memory_space<hbm>>
    %dma_start3A_196 = tpu.memref_slice %arg8[%add3A_192] : memref<200000xf32, #tpu.memory_space<hbm>> -> memref<3136xf32, #tpu.memory_space<hbm>>
    %dma_start3A_197 = arith.constant 6272 : i32
    %dma_start3A_198 = tpu.memref_slice %arg16[%dma_start3A_197] : memref<12544xf32, #tpu.memory_space<vmem>> -> memref<3136xf32, #tpu.memory_space<vmem>>
    tpu.enqueue_dma source(%dma_start3A_198 : memref<3136xf32, #tpu.memory_space<vmem>>) target(%dma_start3A_196 : memref<3136xf32, #tpu.memory_space<hbm>>) target_semaphore(%arg40 : memref<!tpu.dma_semaphore, #tpu.memory_space<semaphore_mem>>)
    %dma_wait3A_199 = arith.constant 9408 : i32
    %dma_wait3A_200 = tpu.memref_slice %arg14[%dma_wait3A_199] : memref<12544xf32, #tpu.memory_space<vmem>> -> memref<3136xf32, #tpu.memory_space<vmem>>
    %dma_wait3A_201 = arith.constant 9408 : i32
    %dma_wait3A_202 = tpu.memref_slice %arg11[%dma_wait3A_201] : memref<12544xi32, #tpu.memory_space<vmem>> -> memref<3136xi32, #tpu.memory_space<vmem>>
    %dma_wait3A_203 = arith.constant 0 : i32
    %dma_wait3A_204 = tpu.memref_slice %arg9[%dma_wait3A_203] : memref<100000xf32, #tpu.memory_space<vmem_shared>> -> memref<100000xf32, #tpu.memory_space<vmem_shared>>
    tpu.wait_indirect_dma semaphore(%arg29 : memref<!tpu.dma_semaphore, #tpu.memory_space<semaphore_mem>>) src(%dma_wait3A_204 : memref<100000xf32, #tpu.memory_space<vmem_shared>>) dst(%dma_wait3A_200 : memref<3136xf32, #tpu.memory_space<vmem>>)
    %dma_wait3A_205 = arith.constant 9408 : i32
    %dma_wait3A_206 = tpu.memref_slice %arg15[%dma_wait3A_205] : memref<12544xf32, #tpu.memory_space<vmem>> -> memref<3136xf32, #tpu.memory_space<vmem>>
    %dma_wait3A_207 = arith.constant 9408 : i32
    %dma_wait3A_208 = tpu.memref_slice %arg12[%dma_wait3A_207] : memref<12544xi32, #tpu.memory_space<vmem>> -> memref<3136xi32, #tpu.memory_space<vmem>>
    %dma_wait3A_209 = arith.constant 0 : i32
    %dma_wait3A_210 = tpu.memref_slice %arg5[%dma_wait3A_209] : memref<100000xf32, #tpu.memory_space<hbm>> -> memref<100000xf32, #tpu.memory_space<hbm>>
    tpu.wait_indirect_dma semaphore(%arg37 : memref<!tpu.dma_semaphore, #tpu.memory_space<semaphore_mem>>) src(%dma_wait3A_210 : memref<100000xf32, #tpu.memory_space<hbm>>) dst(%dma_wait3A_206 : memref<3136xf32, #tpu.memory_space<vmem>>)
    %scan3A_211 = arith.constant 0 : i32
    %scan3A_212 = arith.constant 588 : i32
    %scan3A_213 = arith.constant 196 : i32
    %scan3A_214 = arith.addi %scan3A_212, %scan3A_213 : i32
    %scan3A_215 = arith.constant 1 : i32
    scf.for %scan3A_426 = %scan3A_212 to %scan3A_214 step %scan3A_215  : i32 {
      %mul3A_427 = arith.constant 16 : i32
      %mul3A_428 = arith.muli %scan3A_426, %mul3A_427 : i32
      %get3A = arith.index_cast %mul3A_428 : i32 to index
      %get3A_429 = tpu.vector_load %arg14[%get3A] {strides = array<i32>} : memref<12544xf32, #tpu.memory_space<vmem>>, vector<16xf32>,
      %get3A_430 = arith.index_cast %mul3A_428 : i32 to index
      %get3A_431 = tpu.vector_load %arg15[%get3A_430] {strides = array<i32>} : memref<12544xf32, #tpu.memory_space<vmem>>, vector<16xf32>,
      %sub3A = arith.subf %get3A_429, %get3A_431 : vector<16xf32>
      %get3A_432 = arith.index_cast %mul3A_428 : i32 to index
      %get3A_433 = tpu.vector_load %arg13[%get3A_432] {strides = array<i32>} : memref<12544xf32, #tpu.memory_space<vmem>>, vector<16xf32>,
      %div3A = arith.divf %sub3A, %get3A_433 : vector<16xf32>
      %swap3A = arith.index_cast %mul3A_428 : i32 to index
      %swap3A_434 = tpu.vector_load %arg16[%swap3A] {strides = array<i32>} : memref<12544xf32, #tpu.memory_space<vmem>>, vector<16xf32>,
      tpu.vector_store %arg16[%swap3A], %div3A {strides = array<i32>} : memref<12544xf32, #tpu.memory_space<vmem>>, vector<16xf32>,
    }
    %scan3A_216 = arith.constant 196 : i32
    %add3A_217 = arith.constant 9408 : i32
    %add3A_218 = arith.addi %min3A_3, %add3A_217 : i32
    %dma_start3A_219 = arith.constant 9408 : i32
    %dma_start3A_220 = tpu.memref_slice %arg16[%dma_start3A_219] : memref<12544xf32, #tpu.memory_space<vmem>> -> memref<3136xf32, #tpu.memory_space<vmem>>
    %dma_start3A_221 = tpu.memref_slice %arg10[%add3A_218] : memref<200000xf32, #tpu.memory_space<vmem_shared>> -> memref<3136xf32, #tpu.memory_space<vmem_shared>>
    %dma_start3A_222 = tpu.memref_slice %arg10[%add3A_218] : memref<200000xf32, #tpu.memory_space<vmem_shared>> -> memref<3136xf32, #tpu.memory_space<vmem_shared>>
    %dma_start3A_223 = arith.constant 9408 : i32
    %dma_start3A_224 = tpu.memref_slice %arg16[%dma_start3A_223] : memref<12544xf32, #tpu.memory_space<vmem>> -> memref<3136xf32, #tpu.memory_space<vmem>>
    tpu.enqueue_dma source(%dma_start3A_224 : memref<3136xf32, #tpu.memory_space<vmem>>) target(%dma_start3A_222 : memref<3136xf32, #tpu.memory_space<vmem_shared>>) target_semaphore(%arg29 : memref<!tpu.dma_semaphore, #tpu.memory_space<semaphore_mem>>)
    %add3A_225 = arith.constant 9408 : i32
    %add3A_226 = arith.addi %min3A_3, %add3A_225 : i32
    %dma_start3A_227 = arith.constant 9408 : i32
    %dma_start3A_228 = tpu.memref_slice %arg16[%dma_start3A_227] : memref<12544xf32, #tpu.memory_space<vmem>> -> memref<3136xf32, #tpu.memory_space<vmem>>
    %dma_start3A_229 = tpu.memref_slice %arg8[%add3A_226] : memref<200000xf32, #tpu.memory_space<hbm>> -> memref<3136xf32, #tpu.memory_space<hbm>>
    %dma_start3A_230 = tpu.memref_slice %arg8[%add3A_226] : memref<200000xf32, #tpu.memory_space<hbm>> -> memref<3136xf32, #tpu.memory_space<hbm>>
    %dma_start3A_231 = arith.constant 9408 : i32
    %dma_start3A_232 = tpu.memref_slice %arg16[%dma_start3A_231] : memref<12544xf32, #tpu.memory_space<vmem>> -> memref<3136xf32, #tpu.memory_space<vmem>>
    tpu.enqueue_dma source(%dma_start3A_232 : memref<3136xf32, #tpu.memory_space<vmem>>) target(%dma_start3A_230 : memref<3136xf32, #tpu.memory_space<hbm>>) target_semaphore(%arg41 : memref<!tpu.dma_semaphore, #tpu.memory_space<semaphore_mem>>)
    %dma_wait3A_233 = arith.constant 0 : i32
    %dma_wait3A_234 = tpu.memref_slice %arg16[%dma_wait3A_233] : memref<12544xf32, #tpu.memory_space<vmem>> -> memref<3136xf32, #tpu.memory_space<vmem>>
    %dma_wait3A_235 = tpu.memref_slice %arg10[%add3A_116] : memref<200000xf32, #tpu.memory_space<vmem_shared>> -> memref<3136xf32, #tpu.memory_space<vmem_shared>>
    %dma_wait3A_236 = tpu.memref_slice %arg10[%add3A_116] : memref<200000xf32, #tpu.memory_space<vmem_shared>> -> memref<3136xf32, #tpu.memory_space<vmem_shared>>
    %dma_wait3A_237 = arith.constant 0 : i32
    %dma_wait3A_238 = tpu.memref_slice %arg16[%dma_wait3A_237] : memref<12544xf32, #tpu.memory_space<vmem>> -> memref<3136xf32, #tpu.memory_space<vmem>>
    tpu.wait_dma2 semaphore(%arg26 : memref<!tpu.dma_semaphore, #tpu.memory_space<semaphore_mem>>) src(%dma_wait3A_238 : memref<3136xf32, #tpu.memory_space<vmem>>) dst(%dma_wait3A_236 : memref<3136xf32, #tpu.memory_space<vmem_shared>>)
    %dma_wait3A_239 = arith.constant 0 : i32
    %dma_wait3A_240 = tpu.memref_slice %arg16[%dma_wait3A_239] : memref<12544xf32, #tpu.memory_space<vmem>> -> memref<3136xf32, #tpu.memory_space<vmem>>
    %dma_wait3A_241 = tpu.memref_slice %arg8[%add3A_124] : memref<200000xf32, #tpu.memory_space<hbm>> -> memref<3136xf32, #tpu.memory_space<hbm>>
    %dma_wait3A_242 = tpu.memref_slice %arg8[%add3A_124] : memref<200000xf32, #tpu.memory_space<hbm>> -> memref<3136xf32, #tpu.memory_space<hbm>>
    %dma_wait3A_243 = arith.constant 0 : i32
    %dma_wait3A_244 = tpu.memref_slice %arg16[%dma_wait3A_243] : memref<12544xf32, #tpu.memory_space<vmem>> -> memref<3136xf32, #tpu.memory_space<vmem>>
    tpu.wait_dma2 semaphore(%arg38 : memref<!tpu.dma_semaphore, #tpu.memory_space<semaphore_mem>>) src(%dma_wait3A_244 : memref<3136xf32, #tpu.memory_space<vmem>>) dst(%dma_wait3A_242 : memref<3136xf32, #tpu.memory_space<hbm>>)
    %dma_wait3A_245 = arith.constant 3136 : i32
    %dma_wait3A_246 = tpu.memref_slice %arg16[%dma_wait3A_245] : memref<12544xf32, #tpu.memory_space<vmem>> -> memref<3136xf32, #tpu.memory_space<vmem>>
    %dma_wait3A_247 = tpu.memref_slice %arg10[%add3A_150] : memref<200000xf32, #tpu.memory_space<vmem_shared>> -> memref<3136xf32, #tpu.memory_space<vmem_shared>>
    %dma_wait3A_248 = tpu.memref_slice %arg10[%add3A_150] : memref<200000xf32, #tpu.memory_space<vmem_shared>> -> memref<3136xf32, #tpu.memory_space<vmem_shared>>
    %dma_wait3A_249 = arith.constant 3136 : i32
    %dma_wait3A_250 = tpu.memref_slice %arg16[%dma_wait3A_249] : memref<12544xf32, #tpu.memory_space<vmem>> -> memref<3136xf32, #tpu.memory_space<vmem>>
    tpu.wait_dma2 semaphore(%arg27 : memref<!tpu.dma_semaphore, #tpu.memory_space<semaphore_mem>>) src(%dma_wait3A_250 : memref<3136xf32, #tpu.memory_space<vmem>>) dst(%dma_wait3A_248 : memref<3136xf32, #tpu.memory_space<vmem_shared>>)
    %dma_wait3A_251 = arith.constant 3136 : i32
    %dma_wait3A_252 = tpu.memref_slice %arg16[%dma_wait3A_251] : memref<12544xf32, #tpu.memory_space<vmem>> -> memref<3136xf32, #tpu.memory_space<vmem>>
    %dma_wait3A_253 = tpu.memref_slice %arg8[%add3A_158] : memref<200000xf32, #tpu.memory_space<hbm>> -> memref<3136xf32, #tpu.memory_space<hbm>>
    %dma_wait3A_254 = tpu.memref_slice %arg8[%add3A_158] : memref<200000xf32, #tpu.memory_space<hbm>> -> memref<3136xf32, #tpu.memory_space<hbm>>
    %dma_wait3A_255 = arith.constant 3136 : i32
    %dma_wait3A_256 = tpu.memref_slice %arg16[%dma_wait3A_255] : memref<12544xf32, #tpu.memory_space<vmem>> -> memref<3136xf32, #tpu.memory_space<vmem>>
    tpu.wait_dma2 semaphore(%arg39 : memref<!tpu.dma_semaphore, #tpu.memory_space<semaphore_mem>>) src(%dma_wait3A_256 : memref<3136xf32, #tpu.memory_space<vmem>>) dst(%dma_wait3A_254 : memref<3136xf32, #tpu.memory_space<hbm>>)
    %dma_wait3A_257 = arith.constant 6272 : i32
    %dma_wait3A_258 = tpu.memref_slice %arg16[%dma_wait3A_257] : memref<12544xf32, #tpu.memory_space<vmem>> -> memref<3136xf32, #tpu.memory_space<vmem>>
    %dma_wait3A_259 = tpu.memref_slice %arg10[%add3A_184] : memref<200000xf32, #tpu.memory_space<vmem_shared>> -> memref<3136xf32, #tpu.memory_space<vmem_shared>>
    %dma_wait3A_260 = tpu.memref_slice %arg10[%add3A_184] : memref<200000xf32, #tpu.memory_space<vmem_shared>> -> memref<3136xf32, #tpu.memory_space<vmem_shared>>
    %dma_wait3A_261 = arith.constant 6272 : i32
    %dma_wait3A_262 = tpu.memref_slice %arg16[%dma_wait3A_261] : memref<12544xf32, #tpu.memory_space<vmem>> -> memref<3136xf32, #tpu.memory_space<vmem>>
    tpu.wait_dma2 semaphore(%arg28 : memref<!tpu.dma_semaphore, #tpu.memory_space<semaphore_mem>>) src(%dma_wait3A_262 : memref<3136xf32, #tpu.memory_space<vmem>>) dst(%dma_wait3A_260 : memref<3136xf32, #tpu.memory_space<vmem_shared>>)
    %dma_wait3A_263 = arith.constant 6272 : i32
    %dma_wait3A_264 = tpu.memref_slice %arg16[%dma_wait3A_263] : memref<12544xf32, #tpu.memory_space<vmem>> -> memref<3136xf32, #tpu.memory_space<vmem>>
    %dma_wait3A_265 = tpu.memref_slice %arg8[%add3A_192] : memref<200000xf32, #tpu.memory_space<hbm>> -> memref<3136xf32, #tpu.memory_space<hbm>>
    %dma_wait3A_266 = tpu.memref_slice %arg8[%add3A_192] : memref<200000xf32, #tpu.memory_space<hbm>> -> memref<3136xf32, #tpu.memory_space<hbm>>
    %dma_wait3A_267 = arith.constant 6272 : i32
    %dma_wait3A_268 = tpu.memref_slice %arg16[%dma_wait3A_267] : memref<12544xf32, #tpu.memory_space<vmem>> -> memref<3136xf32, #tpu.memory_space<vmem>>
    tpu.wait_dma2 semaphore(%arg40 : memref<!tpu.dma_semaphore, #tpu.memory_space<semaphore_mem>>) src(%dma_wait3A_268 : memref<3136xf32, #tpu.memory_space<vmem>>) dst(%dma_wait3A_266 : memref<3136xf32, #tpu.memory_space<hbm>>)
    %dma_wait3A_269 = arith.constant 9408 : i32
    %dma_wait3A_270 = tpu.memref_slice %arg16[%dma_wait3A_269] : memref<12544xf32, #tpu.memory_space<vmem>> -> memref<3136xf32, #tpu.memory_space<vmem>>
    %dma_wait3A_271 = tpu.memref_slice %arg10[%add3A_218] : memref<200000xf32, #tpu.memory_space<vmem_shared>> -> memref<3136xf32, #tpu.memory_space<vmem_shared>>
    %dma_wait3A_272 = tpu.memref_slice %arg10[%add3A_218] : memref<200000xf32, #tpu.memory_space<vmem_shared>> -> memref<3136xf32, #tpu.memory_space<vmem_shared>>
    %dma_wait3A_273 = arith.constant 9408 : i32
    %dma_wait3A_274 = tpu.memref_slice %arg16[%dma_wait3A_273] : memref<12544xf32, #tpu.memory_space<vmem>> -> memref<3136xf32, #tpu.memory_space<vmem>>
    tpu.wait_dma2 semaphore(%arg29 : memref<!tpu.dma_semaphore, #tpu.memory_space<semaphore_mem>>) src(%dma_wait3A_274 : memref<3136xf32, #tpu.memory_space<vmem>>) dst(%dma_wait3A_272 : memref<3136xf32, #tpu.memory_space<vmem_shared>>)
    %dma_wait3A_275 = arith.constant 9408 : i32
    %dma_wait3A_276 = tpu.memref_slice %arg16[%dma_wait3A_275] : memref<12544xf32, #tpu.memory_space<vmem>> -> memref<3136xf32, #tpu.memory_space<vmem>>
    %dma_wait3A_277 = tpu.memref_slice %arg8[%add3A_226] : memref<200000xf32, #tpu.memory_space<hbm>> -> memref<3136xf32, #tpu.memory_space<hbm>>
    %dma_wait3A_278 = tpu.memref_slice %arg8[%add3A_226] : memref<200000xf32, #tpu.memory_space<hbm>> -> memref<3136xf32, #tpu.memory_space<hbm>>
    %dma_wait3A_279 = arith.constant 9408 : i32
    %dma_wait3A_280 = tpu.memref_slice %arg16[%dma_wait3A_279] : memref<12544xf32, #tpu.memory_space<vmem>> -> memref<3136xf32, #tpu.memory_space<vmem>>
    tpu.wait_dma2 semaphore(%arg41 : memref<!tpu.dma_semaphore, #tpu.memory_space<semaphore_mem>>) src(%dma_wait3A_280 : memref<3136xf32, #tpu.memory_space<vmem>>) dst(%dma_wait3A_278 : memref<3136xf32, #tpu.memory_space<hbm>>)
    %barrier3A_281 = arith.constant 0 : index
    tpu.barrier barrier_id(%barrier3A_281)
    %dma_wait3A_282 = tpu.memref_slice %arg6[%add3A_14] : memref<400000xi32, #tpu.memory_space<hbm>> -> memref<3136xi32, #tpu.memory_space<hbm>>
    %dma_wait3A_283 = tpu.memref_slice %arg6[%add3A_14] : memref<400000xi32, #tpu.memory_space<hbm>> -> memref<3136xi32, #tpu.memory_space<hbm>>
    tpu.wait_dma2 semaphore(%arg30 : memref<!tpu.dma_semaphore, #tpu.memory_space<semaphore_mem>>) src(%dma_wait3A_283 : memref<3136xi32, #tpu.memory_space<hbm>>) dst(%arg17 : memref<3136xi32, #tpu.memory_space<vmem>>)
    %dma_wait3A_284 = tpu.memref_slice %arg6[%add3A_18] : memref<400000xi32, #tpu.memory_space<hbm>> -> memref<3136xi32, #tpu.memory_space<hbm>>
    %dma_wait3A_285 = tpu.memref_slice %arg6[%add3A_18] : memref<400000xi32, #tpu.memory_space<hbm>> -> memref<3136xi32, #tpu.memory_space<hbm>>
    tpu.wait_dma2 semaphore(%arg31 : memref<!tpu.dma_semaphore, #tpu.memory_space<semaphore_mem>>) src(%dma_wait3A_285 : memref<3136xi32, #tpu.memory_space<hbm>>) dst(%arg18 : memref<3136xi32, #tpu.memory_space<vmem>>)
    %dma_wait3A_286 = tpu.memref_slice %arg6[%add3A_22] : memref<400000xi32, #tpu.memory_space<hbm>> -> memref<3136xi32, #tpu.memory_space<hbm>>
    %dma_wait3A_287 = tpu.memref_slice %arg6[%add3A_22] : memref<400000xi32, #tpu.memory_space<hbm>> -> memref<3136xi32, #tpu.memory_space<hbm>>
    tpu.wait_dma2 semaphore(%arg32 : memref<!tpu.dma_semaphore, #tpu.memory_space<semaphore_mem>>) src(%dma_wait3A_287 : memref<3136xi32, #tpu.memory_space<hbm>>) dst(%arg19 : memref<3136xi32, #tpu.memory_space<vmem>>)
    %dma_wait3A_288 = tpu.memref_slice %arg6[%add3A_26] : memref<400000xi32, #tpu.memory_space<hbm>> -> memref<3136xi32, #tpu.memory_space<hbm>>
    %dma_wait3A_289 = tpu.memref_slice %arg6[%add3A_26] : memref<400000xi32, #tpu.memory_space<hbm>> -> memref<3136xi32, #tpu.memory_space<hbm>>
    tpu.wait_dma2 semaphore(%arg33 : memref<!tpu.dma_semaphore, #tpu.memory_space<semaphore_mem>>) src(%dma_wait3A_289 : memref<3136xi32, #tpu.memory_space<hbm>>) dst(%arg20 : memref<3136xi32, #tpu.memory_space<vmem>>)
    %dma_start3A_290 = arith.constant 0 : i32
    %dma_start3A_291 = tpu.memref_slice %arg21[%dma_start3A_290] : memref<3136xf32, #tpu.memory_space<vmem>> -> memref<1568xf32, #tpu.memory_space<vmem>>
    %dma_start3A_292 = arith.constant 0 : i32
    %dma_start3A_293 = tpu.memref_slice %arg17[%dma_start3A_292] : memref<3136xi32, #tpu.memory_space<vmem>> -> memref<1568xi32, #tpu.memory_space<vmem>>
    %dma_start3A_294 = arith.constant 0 : i32
    %dma_start3A_295 = tpu.memref_slice %arg10[%dma_start3A_294] : memref<200000xf32, #tpu.memory_space<vmem_shared>> -> memref<200000xf32, #tpu.memory_space<vmem_shared>>
    tpu.enqueue_indirect_dma source(%dma_start3A_295 : memref<200000xf32, #tpu.memory_space<vmem_shared>>) target(%dma_start3A_291 : memref<1568xf32, #tpu.memory_space<vmem>>) offsets(%dma_start3A_293 : memref<1568xi32, #tpu.memory_space<vmem>>) semaphore(%arg26 : memref<!tpu.dma_semaphore, #tpu.memory_space<semaphore_mem>>)
    %dma_start3A_296 = arith.constant 0 : i32
    %dma_start3A_297 = tpu.memref_slice %arg22[%dma_start3A_296] : memref<3136xf32, #tpu.memory_space<vmem>> -> memref<1568xf32, #tpu.memory_space<vmem>>
    %dma_start3A_298 = arith.constant 0 : i32
    %dma_start3A_299 = tpu.memref_slice %arg18[%dma_start3A_298] : memref<3136xi32, #tpu.memory_space<vmem>> -> memref<1568xi32, #tpu.memory_space<vmem>>
    %dma_start3A_300 = arith.constant 0 : i32
    %dma_start3A_301 = tpu.memref_slice %arg10[%dma_start3A_300] : memref<200000xf32, #tpu.memory_space<vmem_shared>> -> memref<200000xf32, #tpu.memory_space<vmem_shared>>
    tpu.enqueue_indirect_dma source(%dma_start3A_301 : memref<200000xf32, #tpu.memory_space<vmem_shared>>) target(%dma_start3A_297 : memref<1568xf32, #tpu.memory_space<vmem>>) offsets(%dma_start3A_299 : memref<1568xi32, #tpu.memory_space<vmem>>) semaphore(%arg27 : memref<!tpu.dma_semaphore, #tpu.memory_space<semaphore_mem>>)
    %dma_start3A_302 = arith.constant 0 : i32
    %dma_start3A_303 = tpu.memref_slice %arg23[%dma_start3A_302] : memref<3136xf32, #tpu.memory_space<vmem>> -> memref<1568xf32, #tpu.memory_space<vmem>>
    %dma_start3A_304 = arith.constant 0 : i32
    %dma_start3A_305 = tpu.memref_slice %arg19[%dma_start3A_304] : memref<3136xi32, #tpu.memory_space<vmem>> -> memref<1568xi32, #tpu.memory_space<vmem>>
    %dma_start3A_306 = arith.constant 0 : i32
    %dma_start3A_307 = tpu.memref_slice %arg10[%dma_start3A_306] : memref<200000xf32, #tpu.memory_space<vmem_shared>> -> memref<200000xf32, #tpu.memory_space<vmem_shared>>
    tpu.enqueue_indirect_dma source(%dma_start3A_307 : memref<200000xf32, #tpu.memory_space<vmem_shared>>) target(%dma_start3A_303 : memref<1568xf32, #tpu.memory_space<vmem>>) offsets(%dma_start3A_305 : memref<1568xi32, #tpu.memory_space<vmem>>) semaphore(%arg28 : memref<!tpu.dma_semaphore, #tpu.memory_space<semaphore_mem>>)
    %dma_start3A_308 = arith.constant 0 : i32
    %dma_start3A_309 = tpu.memref_slice %arg24[%dma_start3A_308] : memref<3136xf32, #tpu.memory_space<vmem>> -> memref<1568xf32, #tpu.memory_space<vmem>>
    %dma_start3A_310 = arith.constant 0 : i32
    %dma_start3A_311 = tpu.memref_slice %arg20[%dma_start3A_310] : memref<3136xi32, #tpu.memory_space<vmem>> -> memref<1568xi32, #tpu.memory_space<vmem>>
    %dma_start3A_312 = arith.constant 0 : i32
    %dma_start3A_313 = tpu.memref_slice %arg10[%dma_start3A_312] : memref<200000xf32, #tpu.memory_space<vmem_shared>> -> memref<200000xf32, #tpu.memory_space<vmem_shared>>
    tpu.enqueue_indirect_dma source(%dma_start3A_313 : memref<200000xf32, #tpu.memory_space<vmem_shared>>) target(%dma_start3A_309 : memref<1568xf32, #tpu.memory_space<vmem>>) offsets(%dma_start3A_311 : memref<1568xi32, #tpu.memory_space<vmem>>) semaphore(%arg29 : memref<!tpu.dma_semaphore, #tpu.memory_space<semaphore_mem>>)
    %dma_start3A_314 = arith.constant 1568 : i32
    %dma_start3A_315 = tpu.memref_slice %arg21[%dma_start3A_314] : memref<3136xf32, #tpu.memory_space<vmem>> -> memref<1568xf32, #tpu.memory_space<vmem>>
    %dma_start3A_316 = arith.constant 1568 : i32
    %dma_start3A_317 = tpu.memref_slice %arg17[%dma_start3A_316] : memref<3136xi32, #tpu.memory_space<vmem>> -> memref<1568xi32, #tpu.memory_space<vmem>>
    %dma_start3A_318 = arith.constant 0 : i32
    %dma_start3A_319 = tpu.memref_slice %arg10[%dma_start3A_318] : memref<200000xf32, #tpu.memory_space<vmem_shared>> -> memref<200000xf32, #tpu.memory_space<vmem_shared>>
    tpu.enqueue_indirect_dma source(%dma_start3A_319 : memref<200000xf32, #tpu.memory_space<vmem_shared>>) target(%dma_start3A_315 : memref<1568xf32, #tpu.memory_space<vmem>>) offsets(%dma_start3A_317 : memref<1568xi32, #tpu.memory_space<vmem>>) semaphore(%arg30 : memref<!tpu.dma_semaphore, #tpu.memory_space<semaphore_mem>>)
    %dma_start3A_320 = arith.constant 1568 : i32
    %dma_start3A_321 = tpu.memref_slice %arg22[%dma_start3A_320] : memref<3136xf32, #tpu.memory_space<vmem>> -> memref<1568xf32, #tpu.memory_space<vmem>>
    %dma_start3A_322 = arith.constant 1568 : i32
    %dma_start3A_323 = tpu.memref_slice %arg18[%dma_start3A_322] : memref<3136xi32, #tpu.memory_space<vmem>> -> memref<1568xi32, #tpu.memory_space<vmem>>
    %dma_start3A_324 = arith.constant 0 : i32
    %dma_start3A_325 = tpu.memref_slice %arg10[%dma_start3A_324] : memref<200000xf32, #tpu.memory_space<vmem_shared>> -> memref<200000xf32, #tpu.memory_space<vmem_shared>>
    tpu.enqueue_indirect_dma source(%dma_start3A_325 : memref<200000xf32, #tpu.memory_space<vmem_shared>>) target(%dma_start3A_321 : memref<1568xf32, #tpu.memory_space<vmem>>) offsets(%dma_start3A_323 : memref<1568xi32, #tpu.memory_space<vmem>>) semaphore(%arg31 : memref<!tpu.dma_semaphore, #tpu.memory_space<semaphore_mem>>)
    %dma_start3A_326 = arith.constant 1568 : i32
    %dma_start3A_327 = tpu.memref_slice %arg23[%dma_start3A_326] : memref<3136xf32, #tpu.memory_space<vmem>> -> memref<1568xf32, #tpu.memory_space<vmem>>
    %dma_start3A_328 = arith.constant 1568 : i32
    %dma_start3A_329 = tpu.memref_slice %arg19[%dma_start3A_328] : memref<3136xi32, #tpu.memory_space<vmem>> -> memref<1568xi32, #tpu.memory_space<vmem>>
    %dma_start3A_330 = arith.constant 0 : i32
    %dma_start3A_331 = tpu.memref_slice %arg10[%dma_start3A_330] : memref<200000xf32, #tpu.memory_space<vmem_shared>> -> memref<200000xf32, #tpu.memory_space<vmem_shared>>
    tpu.enqueue_indirect_dma source(%dma_start3A_331 : memref<200000xf32, #tpu.memory_space<vmem_shared>>) target(%dma_start3A_327 : memref<1568xf32, #tpu.memory_space<vmem>>) offsets(%dma_start3A_329 : memref<1568xi32, #tpu.memory_space<vmem>>) semaphore(%arg32 : memref<!tpu.dma_semaphore, #tpu.memory_space<semaphore_mem>>)
    %dma_start3A_332 = arith.constant 1568 : i32
    %dma_start3A_333 = tpu.memref_slice %arg24[%dma_start3A_332] : memref<3136xf32, #tpu.memory_space<vmem>> -> memref<1568xf32, #tpu.memory_space<vmem>>
    %dma_start3A_334 = arith.constant 1568 : i32
    %dma_start3A_335 = tpu.memref_slice %arg20[%dma_start3A_334] : memref<3136xi32, #tpu.memory_space<vmem>> -> memref<1568xi32, #tpu.memory_space<vmem>>
    %dma_start3A_336 = arith.constant 0 : i32
    %dma_start3A_337 = tpu.memref_slice %arg8[%dma_start3A_336] : memref<200000xf32, #tpu.memory_space<hbm>> -> memref<200000xf32, #tpu.memory_space<hbm>>
    tpu.enqueue_indirect_dma source(%dma_start3A_337 : memref<200000xf32, #tpu.memory_space<hbm>>) target(%dma_start3A_333 : memref<1568xf32, #tpu.memory_space<vmem>>) offsets(%dma_start3A_335 : memref<1568xi32, #tpu.memory_space<vmem>>) semaphore(%arg33 : memref<!tpu.dma_semaphore, #tpu.memory_space<semaphore_mem>>)
    %dma_wait3A_338 = arith.constant 0 : i32
    %dma_wait3A_339 = tpu.memref_slice %arg21[%dma_wait3A_338] : memref<3136xf32, #tpu.memory_space<vmem>> -> memref<1568xf32, #tpu.memory_space<vmem>>
    %dma_wait3A_340 = arith.constant 0 : i32
    %dma_wait3A_341 = tpu.memref_slice %arg17[%dma_wait3A_340] : memref<3136xi32, #tpu.memory_space<vmem>> -> memref<1568xi32, #tpu.memory_space<vmem>>
    %dma_wait3A_342 = arith.constant 0 : i32
    %dma_wait3A_343 = tpu.memref_slice %arg10[%dma_wait3A_342] : memref<200000xf32, #tpu.memory_space<vmem_shared>> -> memref<200000xf32, #tpu.memory_space<vmem_shared>>
    tpu.wait_indirect_dma semaphore(%arg26 : memref<!tpu.dma_semaphore, #tpu.memory_space<semaphore_mem>>) src(%dma_wait3A_343 : memref<200000xf32, #tpu.memory_space<vmem_shared>>) dst(%dma_wait3A_339 : memref<1568xf32, #tpu.memory_space<vmem>>)
    %dma_wait3A_344 = arith.constant 0 : i32
    %dma_wait3A_345 = tpu.memref_slice %arg22[%dma_wait3A_344] : memref<3136xf32, #tpu.memory_space<vmem>> -> memref<1568xf32, #tpu.memory_space<vmem>>
    %dma_wait3A_346 = arith.constant 0 : i32
    %dma_wait3A_347 = tpu.memref_slice %arg18[%dma_wait3A_346] : memref<3136xi32, #tpu.memory_space<vmem>> -> memref<1568xi32, #tpu.memory_space<vmem>>
    %dma_wait3A_348 = arith.constant 0 : i32
    %dma_wait3A_349 = tpu.memref_slice %arg10[%dma_wait3A_348] : memref<200000xf32, #tpu.memory_space<vmem_shared>> -> memref<200000xf32, #tpu.memory_space<vmem_shared>>
    tpu.wait_indirect_dma semaphore(%arg27 : memref<!tpu.dma_semaphore, #tpu.memory_space<semaphore_mem>>) src(%dma_wait3A_349 : memref<200000xf32, #tpu.memory_space<vmem_shared>>) dst(%dma_wait3A_345 : memref<1568xf32, #tpu.memory_space<vmem>>)
    %dma_wait3A_350 = arith.constant 0 : i32
    %dma_wait3A_351 = tpu.memref_slice %arg23[%dma_wait3A_350] : memref<3136xf32, #tpu.memory_space<vmem>> -> memref<1568xf32, #tpu.memory_space<vmem>>
    %dma_wait3A_352 = arith.constant 0 : i32
    %dma_wait3A_353 = tpu.memref_slice %arg19[%dma_wait3A_352] : memref<3136xi32, #tpu.memory_space<vmem>> -> memref<1568xi32, #tpu.memory_space<vmem>>
    %dma_wait3A_354 = arith.constant 0 : i32
    %dma_wait3A_355 = tpu.memref_slice %arg10[%dma_wait3A_354] : memref<200000xf32, #tpu.memory_space<vmem_shared>> -> memref<200000xf32, #tpu.memory_space<vmem_shared>>
    tpu.wait_indirect_dma semaphore(%arg28 : memref<!tpu.dma_semaphore, #tpu.memory_space<semaphore_mem>>) src(%dma_wait3A_355 : memref<200000xf32, #tpu.memory_space<vmem_shared>>) dst(%dma_wait3A_351 : memref<1568xf32, #tpu.memory_space<vmem>>)
    %dma_wait3A_356 = arith.constant 0 : i32
    %dma_wait3A_357 = tpu.memref_slice %arg24[%dma_wait3A_356] : memref<3136xf32, #tpu.memory_space<vmem>> -> memref<1568xf32, #tpu.memory_space<vmem>>
    %dma_wait3A_358 = arith.constant 0 : i32
    %dma_wait3A_359 = tpu.memref_slice %arg20[%dma_wait3A_358] : memref<3136xi32, #tpu.memory_space<vmem>> -> memref<1568xi32, #tpu.memory_space<vmem>>
    %dma_wait3A_360 = arith.constant 0 : i32
    %dma_wait3A_361 = tpu.memref_slice %arg10[%dma_wait3A_360] : memref<200000xf32, #tpu.memory_space<vmem_shared>> -> memref<200000xf32, #tpu.memory_space<vmem_shared>>
    tpu.wait_indirect_dma semaphore(%arg29 : memref<!tpu.dma_semaphore, #tpu.memory_space<semaphore_mem>>) src(%dma_wait3A_361 : memref<200000xf32, #tpu.memory_space<vmem_shared>>) dst(%dma_wait3A_357 : memref<1568xf32, #tpu.memory_space<vmem>>)
    %scan3A_362 = arith.constant 0 : i32
    %scan3A_363 = arith.constant 0 : i32
    %scan3A_364 = arith.constant 98 : i32
    %scan3A_365 = arith.addi %scan3A_363, %scan3A_364 : i32
    %scan3A_366 = arith.constant 1 : i32
    scf.for %scan3A_426 = %scan3A_363 to %scan3A_365 step %scan3A_366  : i32 {
      %mul3A_427 = arith.constant 16 : i32
      %mul3A_428 = arith.muli %scan3A_426, %mul3A_427 : i32
      %get3A = arith.index_cast %mul3A_428 : i32 to index
      %get3A_429 = tpu.vector_load %arg21[%get3A] {strides = array<i32>} : memref<3136xf32, #tpu.memory_space<vmem>>, vector<16xf32>,
      %get3A_430 = arith.index_cast %mul3A_428 : i32 to index
      %get3A_431 = tpu.vector_load %arg22[%get3A_430] {strides = array<i32>} : memref<3136xf32, #tpu.memory_space<vmem>>, vector<16xf32>,
      %add3A_432 = arith.addf %get3A_429, %get3A_431 : vector<16xf32>
      %get3A_433 = arith.index_cast %mul3A_428 : i32 to index
      %get3A_434 = tpu.vector_load %arg23[%get3A_433] {strides = array<i32>} : memref<3136xf32, #tpu.memory_space<vmem>>, vector<16xf32>,
      %get3A_435 = arith.index_cast %mul3A_428 : i32 to index
      %get3A_436 = tpu.vector_load %arg24[%get3A_435] {strides = array<i32>} : memref<3136xf32, #tpu.memory_space<vmem>>, vector<16xf32>,
      %add3A_437 = arith.addf %get3A_434, %get3A_436 : vector<16xf32>
      %add3A_438 = arith.addf %add3A_432, %add3A_437 : vector<16xf32>
      %mul3A_439 = arith.constant 2.500000e-01 : f32
      %mul3A_440 = vector.broadcast %mul3A_439 : f32 to vector<16xf32>
      %mul3A_441 = arith.mulf %add3A_438, %mul3A_440 : vector<16xf32>
      %swap3A = arith.index_cast %mul3A_428 : i32 to index
      %swap3A_442 = tpu.vector_load %arg25[%swap3A] {strides = array<i32>} : memref<3136xf32, #tpu.memory_space<vmem>>, vector<16xf32>,
      tpu.vector_store %arg25[%swap3A], %mul3A_441 {strides = array<i32>} : memref<3136xf32, #tpu.memory_space<vmem>>, vector<16xf32>,
    }
    %scan3A_367 = arith.constant 98 : i32
    %add3A_368 = arith.constant 0 : i32
    %add3A_369 = arith.addi %min3A_12, %add3A_368 : i32
    %dma_start3A_370 = arith.constant 0 : i32
    %dma_start3A_371 = tpu.memref_slice %arg25[%dma_start3A_370] : memref<3136xf32, #tpu.memory_space<vmem>> -> memref<1568xf32, #tpu.memory_space<vmem>>
    %dma_start3A_372 = tpu.memref_slice %arg7[%add3A_369] : memref<100000xf32, #tpu.memory_space<hbm>> -> memref<1568xf32, #tpu.memory_space<hbm>>
    %dma_start3A_373 = tpu.memref_slice %arg7[%add3A_369] : memref<100000xf32, #tpu.memory_space<hbm>> -> memref<1568xf32, #tpu.memory_space<hbm>>
    %dma_start3A_374 = arith.constant 0 : i32
    %dma_start3A_375 = tpu.memref_slice %arg25[%dma_start3A_374] : memref<3136xf32, #tpu.memory_space<vmem>> -> memref<1568xf32, #tpu.memory_space<vmem>>
    tpu.enqueue_dma source(%dma_start3A_375 : memref<1568xf32, #tpu.memory_space<vmem>>) target(%dma_start3A_373 : memref<1568xf32, #tpu.memory_space<hbm>>) target_semaphore(%arg34 : memref<!tpu.dma_semaphore, #tpu.memory_space<semaphore_mem>>)
    %dma_wait3A_376 = arith.constant 1568 : i32
    %dma_wait3A_377 = tpu.memref_slice %arg21[%dma_wait3A_376] : memref<3136xf32, #tpu.memory_space<vmem>> -> memref<1568xf32, #tpu.memory_space<vmem>>
    %dma_wait3A_378 = arith.constant 1568 : i32
    %dma_wait3A_379 = tpu.memref_slice %arg17[%dma_wait3A_378] : memref<3136xi32, #tpu.memory_space<vmem>> -> memref<1568xi32, #tpu.memory_space<vmem>>
    %dma_wait3A_380 = arith.constant 0 : i32
    %dma_wait3A_381 = tpu.memref_slice %arg10[%dma_wait3A_380] : memref<200000xf32, #tpu.memory_space<vmem_shared>> -> memref<200000xf32, #tpu.memory_space<vmem_shared>>
    tpu.wait_indirect_dma semaphore(%arg30 : memref<!tpu.dma_semaphore, #tpu.memory_space<semaphore_mem>>) src(%dma_wait3A_381 : memref<200000xf32, #tpu.memory_space<vmem_shared>>) dst(%dma_wait3A_377 : memref<1568xf32, #tpu.memory_space<vmem>>)
    %dma_wait3A_382 = arith.constant 1568 : i32
    %dma_wait3A_383 = tpu.memref_slice %arg22[%dma_wait3A_382] : memref<3136xf32, #tpu.memory_space<vmem>> -> memref<1568xf32, #tpu.memory_space<vmem>>
    %dma_wait3A_384 = arith.constant 1568 : i32
    %dma_wait3A_385 = tpu.memref_slice %arg18[%dma_wait3A_384] : memref<3136xi32, #tpu.memory_space<vmem>> -> memref<1568xi32, #tpu.memory_space<vmem>>
    %dma_wait3A_386 = arith.constant 0 : i32
    %dma_wait3A_387 = tpu.memref_slice %arg10[%dma_wait3A_386] : memref<200000xf32, #tpu.memory_space<vmem_shared>> -> memref<200000xf32, #tpu.memory_space<vmem_shared>>
    tpu.wait_indirect_dma semaphore(%arg31 : memref<!tpu.dma_semaphore, #tpu.memory_space<semaphore_mem>>) src(%dma_wait3A_387 : memref<200000xf32, #tpu.memory_space<vmem_shared>>) dst(%dma_wait3A_383 : memref<1568xf32, #tpu.memory_space<vmem>>)
    %dma_wait3A_388 = arith.constant 1568 : i32
    %dma_wait3A_389 = tpu.memref_slice %arg23[%dma_wait3A_388] : memref<3136xf32, #tpu.memory_space<vmem>> -> memref<1568xf32, #tpu.memory_space<vmem>>
    %dma_wait3A_390 = arith.constant 1568 : i32
    %dma_wait3A_391 = tpu.memref_slice %arg19[%dma_wait3A_390] : memref<3136xi32, #tpu.memory_space<vmem>> -> memref<1568xi32, #tpu.memory_space<vmem>>
    %dma_wait3A_392 = arith.constant 0 : i32
    %dma_wait3A_393 = tpu.memref_slice %arg10[%dma_wait3A_392] : memref<200000xf32, #tpu.memory_space<vmem_shared>> -> memref<200000xf32, #tpu.memory_space<vmem_shared>>
    tpu.wait_indirect_dma semaphore(%arg32 : memref<!tpu.dma_semaphore, #tpu.memory_space<semaphore_mem>>) src(%dma_wait3A_393 : memref<200000xf32, #tpu.memory_space<vmem_shared>>) dst(%dma_wait3A_389 : memref<1568xf32, #tpu.memory_space<vmem>>)
    %dma_wait3A_394 = arith.constant 1568 : i32
    %dma_wait3A_395 = tpu.memref_slice %arg24[%dma_wait3A_394] : memref<3136xf32, #tpu.memory_space<vmem>> -> memref<1568xf32, #tpu.memory_space<vmem>>
    %dma_wait3A_396 = arith.constant 1568 : i32
    %dma_wait3A_397 = tpu.memref_slice %arg20[%dma_wait3A_396] : memref<3136xi32, #tpu.memory_space<vmem>> -> memref<1568xi32, #tpu.memory_space<vmem>>
    %dma_wait3A_398 = arith.constant 0 : i32
    %dma_wait3A_399 = tpu.memref_slice %arg8[%dma_wait3A_398] : memref<200000xf32, #tpu.memory_space<hbm>> -> memref<200000xf32, #tpu.memory_space<hbm>>
    tpu.wait_indirect_dma semaphore(%arg33 : memref<!tpu.dma_semaphore, #tpu.memory_space<semaphore_mem>>) src(%dma_wait3A_399 : memref<200000xf32, #tpu.memory_space<hbm>>) dst(%dma_wait3A_395 : memref<1568xf32, #tpu.memory_space<vmem>>)
    %scan3A_400 = arith.constant 0 : i32
    %scan3A_401 = arith.constant 98 : i32
    %scan3A_402 = arith.constant 98 : i32
    %scan3A_403 = arith.addi %scan3A_401, %scan3A_402 : i32
    %scan3A_404 = arith.constant 1 : i32
    scf.for %scan3A_426 = %scan3A_401 to %scan3A_403 step %scan3A_404  : i32 {
      %mul3A_427 = arith.constant 16 : i32
      %mul3A_428 = arith.muli %scan3A_426, %mul3A_427 : i32
      %get3A = arith.index_cast %mul3A_428 : i32 to index
      %get3A_429 = tpu.vector_load %arg21[%get3A] {strides = array<i32>} : memref<3136xf32, #tpu.memory_space<vmem>>, vector<16xf32>,
      %get3A_430 = arith.index_cast %mul3A_428 : i32 to index
      %get3A_431 = tpu.vector_load %arg22[%get3A_430] {strides = array<i32>} : memref<3136xf32, #tpu.memory_space<vmem>>, vector<16xf32>,
      %add3A_432 = arith.addf %get3A_429, %get3A_431 : vector<16xf32>
      %get3A_433 = arith.index_cast %mul3A_428 : i32 to index
      %get3A_434 = tpu.vector_load %arg23[%get3A_433] {strides = array<i32>} : memref<3136xf32, #tpu.memory_space<vmem>>, vector<16xf32>,
      %get3A_435 = arith.index_cast %mul3A_428 : i32 to index
      %get3A_436 = tpu.vector_load %arg24[%get3A_435] {strides = array<i32>} : memref<3136xf32, #tpu.memory_space<vmem>>, vector<16xf32>,
      %add3A_437 = arith.addf %get3A_434, %get3A_436 : vector<16xf32>
      %add3A_438 = arith.addf %add3A_432, %add3A_437 : vector<16xf32>
      %mul3A_439 = arith.constant 2.500000e-01 : f32
      %mul3A_440 = vector.broadcast %mul3A_439 : f32 to vector<16xf32>
      %mul3A_441 = arith.mulf %add3A_438, %mul3A_440 : vector<16xf32>
      %swap3A = arith.index_cast %mul3A_428 : i32 to index
      %swap3A_442 = tpu.vector_load %arg25[%swap3A] {strides = array<i32>} : memref<3136xf32, #tpu.memory_space<vmem>>, vector<16xf32>,
      tpu.vector_store %arg25[%swap3A], %mul3A_441 {strides = array<i32>} : memref<3136xf32, #tpu.memory_space<vmem>>, vector<16xf32>,
    }
    %scan3A_405 = arith.constant 98 : i32
    %add3A_406 = arith.constant 1568 : i32
    %add3A_407 = arith.addi %min3A_12, %add3A_406 : i32
    %dma_start3A_408 = arith.constant 1568 : i32
    %dma_start3A_409 = tpu.memref_slice %arg25[%dma_start3A_408] : memref<3136xf32, #tpu.memory_space<vmem>> -> memref<1568xf32, #tpu.memory_space<vmem>>
    %dma_start3A_410 = tpu.memref_slice %arg7[%add3A_407] : memref<100000xf32, #tpu.memory_space<hbm>> -> memref<1568xf32, #tpu.memory_space<hbm>>
    %dma_start3A_411 = tpu.memref_slice %arg7[%add3A_407] : memref<100000xf32, #tpu.memory_space<hbm>> -> memref<1568xf32, #tpu.memory_space<hbm>>
    %dma_start3A_412 = arith.constant 1568 : i32
    %dma_start3A_413 = tpu.memref_slice %arg25[%dma_start3A_412] : memref<3136xf32, #tpu.memory_space<vmem>> -> memref<1568xf32, #tpu.memory_space<vmem>>
    tpu.enqueue_dma source(%dma_start3A_413 : memref<1568xf32, #tpu.memory_space<vmem>>) target(%dma_start3A_411 : memref<1568xf32, #tpu.memory_space<hbm>>) target_semaphore(%arg35 : memref<!tpu.dma_semaphore, #tpu.memory_space<semaphore_mem>>)
    %dma_wait3A_414 = arith.constant 0 : i32
    %dma_wait3A_415 = tpu.memref_slice %arg25[%dma_wait3A_414] : memref<3136xf32, #tpu.memory_space<vmem>> -> memref<1568xf32, #tpu.memory_space<vmem>>
    %dma_wait3A_416 = tpu.memref_slice %arg7[%add3A_369] : memref<100000xf32, #tpu.memory_space<hbm>> -> memref<1568xf32, #tpu.memory_space<hbm>>
    %dma_wait3A_417 = tpu.memref_slice %arg7[%add3A_369] : memref<100000xf32, #tpu.memory_space<hbm>> -> memref<1568xf32, #tpu.memory_space<hbm>>
    %dma_wait3A_418 = arith.constant 0 : i32
    %dma_wait3A_419 = tpu.memref_slice %arg25[%dma_wait3A_418] : memref<3136xf32, #tpu.memory_space<vmem>> -> memref<1568xf32, #tpu.memory_space<vmem>>
    tpu.wait_dma2 semaphore(%arg34 : memref<!tpu.dma_semaphore, #tpu.memory_space<semaphore_mem>>) src(%dma_wait3A_419 : memref<1568xf32, #tpu.memory_space<vmem>>) dst(%dma_wait3A_417 : memref<1568xf32, #tpu.memory_space<hbm>>)
    %dma_wait3A_420 = arith.constant 1568 : i32
    %dma_wait3A_421 = tpu.memref_slice %arg25[%dma_wait3A_420] : memref<3136xf32, #tpu.memory_space<vmem>> -> memref<1568xf32, #tpu.memory_space<vmem>>
    %dma_wait3A_422 = tpu.memref_slice %arg7[%add3A_407] : memref<100000xf32, #tpu.memory_space<hbm>> -> memref<1568xf32, #tpu.memory_space<hbm>>
    %dma_wait3A_423 = tpu.memref_slice %arg7[%add3A_407] : memref<100000xf32, #tpu.memory_space<hbm>> -> memref<1568xf32, #tpu.memory_space<hbm>>
    %dma_wait3A_424 = arith.constant 1568 : i32
    %dma_wait3A_425 = tpu.memref_slice %arg25[%dma_wait3A_424] : memref<3136xf32, #tpu.memory_space<vmem>> -> memref<1568xf32, #tpu.memory_space<vmem>>
    tpu.wait_dma2 semaphore(%arg35 : memref<!tpu.dma_semaphore, #tpu.memory_space<semaphore_mem>>) src(%dma_wait3A_425 : memref<1568xf32, #tpu.memory_space<vmem>>) dst(%dma_wait3A_423 : memref<1568xf32, #tpu.memory_space<hbm>>)
    return
  }
}

</mosaic_0001>

<sc_bundles>
// kernel: kernel.3.cloned.1.call-start
scs
__scs_entry_jumppad:
0x0: {  	(pc) =	sbr.rel $0x88, $3  }
0x1: {  	(tag) =	ssettag $0x0;
	lr =	simm.s32 $0x1  }
0x2: {  	[smem:$0x3F9C] =	sst lr;
	_ =	strace $0xD0000000  }
0x3: {  	_ = 	snop  }
0x4: {  	_ = 	snop  }
0x5: {  	_ = 	snop  }
0x6: {  	_ = 	snop  }
0x7: {  	_ = 	snop  }
__scs_overlays_trampoline_lowered:
0x8: {  	[smem:$0x3FAB] =	sst s0  }
0x9: {  	[smem:$0x3FAC] =	sst s1  }
0xa: {  	[smem:$0x3FAD] =	sst s2  }
0xb: {  	[smem:$0x3FAE] =	sst s3  }
0xc: {  	[smem:$0x3FAF] =	sst s4  }
0xd: {  	[smem:$0x3FB0] =	sst s5  }
0xe: {  	[smem:$0x3FB1] =	sst s6  }
0xf: {  	[smem:$0x3FB2] =	sst s7  }
0x10: {  	[smem:$0x3FB3] =	sst s8  }
0x11: {  	[smem:$0x3FB4] =	sst s9;
	s0 =	simm.s32 @!p0 $0x0  }
0x12: {  	s1 =	sld [smem:$0x3F9A];
	s0 =	simm.s32 @p0 $0x1  }
0x13: {  	[smem:$0x3FB5] =	sst s0;
	s0 =	simm.s32 @!p1 $0x0  }
0x14: {  	s2 =	sld [smem:$0x3F99];
	s0 =	simm.s32 @p1 $0x1  }
0x15: {  	[smem:$0x3FB6] =	sst s0;
	s0 =	simm.s32 @!p2 $0x0  }
0x16: {  	s3 =	sld [smem:$0x3FDB];
	s0 =	simm.s32 @p2 $0x1  }
0x17: {  	s4 =	simm.s32 $0x1BF5;
	[smem:$0x3FB8] =	sst s0  }
0x18: {  	s0 =	sld [smem:$0x3F9B];
	_ =	swait.ge [sflag:s4], $0x0  }
0x19: {  	s7 =	sld [smem:$0x3F9C]  }
0x1a: {  	s8 =	sadd.s32 $0xFFFFE003, lr  }
0x1b: {  	s9 =	sadd.s32 $0xFFFFFEF7, lr;
	s5 =	simm.s32 $0xFFFFFFFF;
	p2 =	slt.u32 s8, $0xFFFFF086  }
0x1c: {  	p1 =	slt.u32 s9, $0xF7A;
	s5 =	simm.s32 @!p2 $0x0  }
0x1d: {  	s5 =	simm.s32 @p1 $0x1;
	p0 =	seq.s32 s7, s2  }
0x1e: {  	s7 =	smul.u32 @!p0 $0xF7A, s2;
	p2 =	seq.s32 @!p0 s5, $0x0  }
0x1f: {  	s9 =	smul.u32 $0xF7A, s1;
	s8 =	simm.s32 @!p0 $0x1BF5;
	p2 =	por !p2, p0  }
0x20: {  	[sflag:s8] =	ssyncset.s32 @!p0 $0xFFFFF086;
	s6 =	sadd.s32 @!p0 s3, s7;
	s7 =	simm.s32 @!p0 $0x108  }
0x21: {  	s3 =	sadd.s32 s3, s9;
	s6 =	sadd.s32 @!p0 $0x88, s6;
	s7 =	simm.s32 @p2 $0x1082  }
0x22: {  	[simem:s7], [sflag:s8] =	dma.local @!p0 [hbm:s6], $0xF7A  }
0x23: {  	s9 =	sor.u32 $0xD0000000, s2;
	s6 =	simm.s32 $0x108;
	_ =	swait.ge @!p0 [sflag:s8], $0x0  }
0x24: {  	s3 =	sadd.s32 $0x88, s3;
	s6 =	simm.s32 @!p1 $0x1082;
	[sflag:s4] =	ssyncset.s32 $0xFFFFF086  }
0x25: {  	[simem:s6], [sflag:s4] =	dma.local [hbm:s3], $0xF7A  }
0x26: {  	[smem:$0x3F9C] =	sst s1;
	(tag) =	ssettag s2;
	_ =	strace s9  }
0x27: {  	s1 =	sld [smem:$0x3FAC]  }
0x28: {  	s2 =	sld [smem:$0x3FAD]  }
0x29: {  	s4 =	sld [smem:$0x3FAF]  }
0x2a: {  	p0 =	seq.s32 s5, $0x0;
	s5 =	sld [smem:$0x3FB0]  }
0x2b: {  	s6 =	sld [smem:$0x3FB1]  }
0x2c: {  	s7 =	sld [smem:$0x3FB2]  }
0x2d: {  	s3 =	simm.s32 $0x108;
	s8 =	sld [smem:$0x3FB3]  }
0x2e: {  	s3 =	simm.s32 @!p0 $0x1082;
	s9 =	sld [smem:$0x3FB4]  }
0x2f: {  	lr =	sadd.s32 s0, s3;
	s0 =	sld [smem:$0x3FAB]  }
0x30: {  	s3 =	sld [smem:$0x3FAE]  }
0x31: {  	[smem:$0x3FB7] =	sst s10  }
0x32: {  	s10 =	sld [smem:$0x3FB5];
	_ =	sdelay $0x3  }
0x33: {  	p0 =	seq.s32 s10, $0x1;
	s10 =	sld [smem:$0x3FB7];
	_ =	sdelay $0x3  }
0x34: {  	[smem:$0x3FB7] =	sst s10  }
0x35: {  	s10 =	sld [smem:$0x3FB6];
	_ =	sdelay $0x3  }
0x36: {  	p1 =	seq.s32 s10, $0x1;
	s10 =	sld [smem:$0x3FB7];
	_ =	sdelay $0x3  }
0x37: {  	[smem:$0x3FB7] =	sst s10  }
0x38: {  	s10 =	sld [smem:$0x3FB8]  }
0x39: {  	_ = 	snop;
	(pc) =	sbr.ind lr, $3  }
0x3a: {  	_ = 	snop  }
0x3b: {  	_ = 	snop  }
0x3c: {  	p2 =	seq.s32 s10, $0x1;
	s10 =	sld [smem:$0x3FB7]  }
0x3d: {  	_ =	shalt  }
0x3e: {  	_ =	shalt  }
0x3f: {  	_ =	shalt  }
0x40: {  	_ =	shalt  }
0x41: {  	_ =	shalt  }
0x42: {  	_ =	shalt  }
0x43: {  	_ =	shalt  }
0x44: {  	_ =	shalt  }
0x45: {  	_ =	shalt  }
0x46: {  	_ =	shalt  }
0x47: {  	_ =	shalt  }
0x48: {  	_ =	shalt  }
0x49: {  	_ =	shalt  }
0x4a: {  	_ =	shalt  }
0x4b: {  	_ =	shalt  }
0x4c: {  	_ =	shalt  }
0x4d: {  	_ =	shalt  }
0x4e: {  	_ =	shalt  }
0x4f: {  	_ =	shalt  }
0x50: {  	_ =	shalt  }
0x51: {  	_ =	shalt  }
0x52: {  	_ =	shalt  }
0x53: {  	_ =	shalt  }
0x54: {  	_ =	shalt  }
0x55: {  	_ =	shalt  }
0x56: {  	_ =	shalt  }
0x57: {  	_ =	shalt  }
0x58: {  	_ =	shalt  }
0x59: {  	_ =	shalt  }
0x5a: {  	_ =	shalt  }
0x5b: {  	_ =	shalt  }
0x5c: {  	_ =	shalt  }
0x5d: {  	_ =	shalt  }
0x5e: {  	_ =	shalt  }
0x5f: {  	_ =	shalt  }
0x60: {  	_ =	shalt  }
0x61: {  	_ =	shalt  }
0x62: {  	_ =	shalt  }
0x63: {  	_ =	shalt  }
0x64: {  	_ =	shalt  }
0x65: {  	_ =	shalt  }
0x66: {  	_ =	shalt  }
0x67: {  	_ =	shalt  }
0x68: {  	_ =	shalt  }
0x69: {  	_ =	shalt  }
0x6a: {  	_ =	shalt  }
0x6b: {  	_ =	shalt  }
0x6c: {  	_ =	shalt  }
0x6d: {  	_ =	shalt  }
0x6e: {  	_ =	shalt  }
0x6f: {  	_ =	shalt  }
0x70: {  	_ =	shalt  }
0x71: {  	_ =	shalt  }
0x72: {  	_ =	shalt  }
0x73: {  	_ =	shalt  }
0x74: {  	_ =	shalt  }
0x75: {  	_ =	shalt  }
0x76: {  	_ =	shalt  }
0x77: {  	_ =	shalt  }
0x78: {  	_ =	shalt  }
0x79: {  	_ =	shalt  }
0x7a: {  	_ =	shalt  }
0x7b: {  	_ =	shalt  }
0x7c: {  	_ =	shalt  }
0x7d: {  	_ =	shalt  }
0x7e: {  	_ =	shalt  }
0x7f: {  	_ =	shalt  }
0x80: {  	_ =	shalt  }
0x81: {  	_ =	shalt  }
0x82: {  	_ =	shalt  }
0x83: {  	_ =	shalt  }
0x84: {  	_ =	shalt  }
0x85: {  	_ =	shalt  }
0x86: {  	_ =	shalt  }
0x87: {  	_ =	shalt  }
.Lfunc_end0:
.L_simem_size_0:
called_computation_lowered:
.L_overlay_start_0:
0x88: {  	s2 =	sld [smem:$0x3FD9]  }
0x89: {  	s3 =	sld [smem:$0x3FFE];
	_ =	sdelay $0x1  }
0x8a: {  	s1 =	srdreg.scid  }
0x8b: {  	s0 =	sand.u32 $0x1, s1  }
0x8c: {  	s17 =	sshll.u32 s0, $0xA;
	s2 =	sadd.s32 s3, s2  }
0x8d: {  	s2 =	sadd.s32 s2, s17  }
0x8e: {  	[smem:$0x3FC3] =	sst s2  }
0x8f: {  	_ = 	snop  }
0x90: {  	s2 =	sld [smem:$0x3FC9]  }
0x91: {  	s18 =	sld [smem:$0x3FC8]  }
0x92: {  	s4 =	sld [smem:$0x3FC7]  }
0x93: {  	s5 =	sld [smem:$0x3FC6]  }
0x94: {  	s6 =	sld [smem:$0x3FD0];
	(tm) =	ssettm $0x1  }
0x95: {  	s7 =	sld [smem:$0x3FFB];
	_ =	sdelay $0x3  }
0x96: {  	_ =	strace s7  }
0x97: {  	s7 =	sld [smem:$0x3FFC];
	_ =	sdelay $0x3  }
0x98: {  	_ =	strace s7  }
0x99: {  	s7 =	sld [smem:$0x3FFD];
	_ =	sdelay $0x3  }
0x9a: {  	_ =	strace s7  }
0x9b: {  	_ =	strace $0x8FFFFFFF  }
0x9c: {  	s19 =	sld [smem:$0x3FDB];
	_ =	sdelay $0x1  }
0x9d: {  	s8 =	simm.s32 $_scs_section_size  }
0x9e: {  	s9 =	simm.s32 $_size__tile_overlayer_lowered;
	s10 =	simm.s32 $_tile_overlayer_lowered  }
0x9f: {  	s22 =	simm.s32 $0x1BFF;
	s21 =	sshll.u32 s10, $0x1;
	s7 =	sadd.s32 s8, s19  }
0xa0: {  	s11 =	simm.s32 $0x0;
	s20 =	sshll.u32 s9, $0x1;
	s9 =	sadd.s32 s21, s7  }
0xa1: {  	[timem:s11], [sflag:s22] =	dma.local [hbm:s9], s20  }
0xa2: {  	_ =	swait.ge [sflag:s22], s20  }
0xa3: {  	s8 =	ssub.s32 $0x0, s20;
	[sflag:s22] =	ssyncset.done $0x0  }
0xa4: {  	[sflag:s22] =	ssyncadd.s32 s8;
	_ =	sdelay $0x1  }
0xa5: {  	s23 =	simm.s32 $0x1B8B  }
0xa6: {  	_ =	swait.ge [sflag:s23], $0x1  }
0xa7: {  	[sflag:s23] =	ssyncset.done $0x0  }
0xa8: {  	s25 =	simm.s32 $0x1B8E;
	s24 =	sld [smem:$0x3FFE];
	[sflag:s23] =	ssyncadd.s32 $0xFFFFFFFF  }
0xa9: {  	s26 =	simm.s32 $execute0_lowered;
	[smem:$0x3FD2] =	sst s25  }
0xaa: {  	s9 =	sshll.u32 s26, $0x1;
	_ =	strace $0x80000046;
	[dreg:$0x1] =	wrdreg $0xFFFFFFFF  }
0xab: {  	s28 =	simm.s32 $_size_execute0_lowered;
	s7 =	sadd.s32 s7, s9;
	[dreg:$0x0] =	wrdreg $0x0  }
0xac: {  	s9 =	sshll.u32 s28, $0x1;
	[dreg:$0x2] =	wrdreg s7  }
0xad: {  	[dreg:$0x3] =	wrdreg s9  }
0xae: {  	[dreg:$0x4] =	wrdreg $0xC0  }
0xaf: {  	_ =	task [dreg:s11], $0x5FFFF  }
0xb0: {  	[dreg:$0x1] =	wrdreg $0xFFFFFFFF  }
0xb1: {  	[dreg:$0x0] =	wrdreg $0x60  }
0xb2: {  	[dreg:$0x2] =	wrdreg s4  }
0xb3: {  	[dreg:$0x3] =	wrdreg s5  }
0xb4: {  	[dreg:$0x4] =	wrdreg s18  }
0xb5: {  	[dreg:$0x5] =	wrdreg s2  }
0xb6: {  	[dreg:$0x6] =	wrdreg s24  }
0xb7: {  	[dreg:$0x7] =	wrdreg s6  }
0xb8: {  	[dreg:$0x8] =	wrdreg $0x0  }
0xb9: {  	[dreg:$0x9] =	wrdreg $0x18700  }
0xba: {  	[dreg:$0xa] =	wrdreg $0x9  }
0xbb: {  	_ =	task.clear_ibuf [dreg:s11], $0xBFFFF;
	_ =	strace $0x90000046  }
0xbc: {  	s29 =	simm.s32 $0x9;
	_ =	strace $0x80000048  }
0xbd: {  	_ =	swait.ge [sflag:s29], $0x1  }
0xbe: {  	[sflag:s29] =	ssyncadd.s32 $0xFFFFFFFF  }
0xbf: {  	_ =	strace $0x90000048  }
0xc0: {  	_ =	sfence  }
0xc1: {  	s30 =	sld [smem:$0x0];
	_ =	sdelay $0x2  }
0xc2: {  	s31 =	sshll.u32 s1, $0xD;
	s1 =	sshrl.u32 s1, $0x2  }
0xc3: {  	s3 =	sand.u32 $0x4000, s31;
	s1 =	sadd.s32 s1, s30  }
0xc4: {  	s0 =	sor.u32 s3, s0;
	s1 =	sshll.u32 s1, $0x11  }
0xc5: {  	s0 =	sor.u32 s1, s0  }
0xc6: {  	s0 =	sadd.s32 $0x8F2B, s0  }
0xc7: {  	[sflag:s0] =	ssyncadd.remote.s32 $0x1  }
0xc8: {  	_ =	sfence.sel $0xFFFF  }
0xc9: {  	[dreg:$0x0] =	wrdreg $0xFFFFFFFF;
	(pc) =	sbr.abs _section_cstart, $3  }
0xca: {  	[dreg:$0x1] =	wrdreg $0xFFFFFFFF  }
0xcb: {  	_ =	task.clear_ibuf [dreg:s11], $0x2FFFF;
	_ =	strace $0x9FFFFFFF  }
0xcc: {  	(tm) =	ssettm $0x7FFFFFFF  }
0xcd: {  	_ =	shalt  }
tec
execute0_lowered:
.L_overlay_start_1:
0x0: {  	(tag) =	ssettag $0x1  }
0x1: {  	s0 =	rddreg [dreg:$0x0]  }
0x2: {  	s1 =	rddreg [dreg:$0x1]  }
0x3: {  	s2 =	rddreg [dreg:$0x2]  }
0x4: {  	s14 =	rddreg [dreg:$0x3]  }
0x5: {  	s3 =	srdreg.scid;
	s6 =	rddreg [dreg:$0x4]  }
0x6: {  	s13 =	stileid.u32;
	s8 =	rddreg [dreg:$0x5]  }
0x7: {  	s5 =	simm.s32 $0x0;
	s30 =	simm.s32 $0x13E48;
	s28 =	simm.s32 $0xE  }
0x8: {  	s29 =	simm.s32 $0xF;
	s31 =	simm.s32 $0x5;
	s7 =	sand.u32 $0x1, s3  }
0x9: {  	s20 =	sshll.u32 s13, $0x1;
	s3 =	rddreg [dreg:$0x6];
	s10 =	smul.u32 $0x3100, s13  }
0xa: {  	[smem:$0x7FF] =	sst s5;
	s13 =	smul.u32 $0x1870, s13;
	s4 =	sor.u32 s7, s20  }
0xb: {  	s7 =	ssub.s32 $0x2, s7;
	s9 =	smul.u32 $0xC40, s4;
	s4 =	rddreg [dreg:$0x7]  }
0xc: {  	_ =	strace $0x80000047;
	s12 =	sshrl.u32 s7, $0x1;
	s10 =	smin.u32 s10, $0x2DC40  }
0xd: {  	s26 =	smin.u32 s13, $0x16E30;
	s7 =	ssub.s32 s7, s12;
	s21 =	sshrl.u32 s10, $0x3  }
0xe: {  	s13 =	sshrl.u32 s26, $0x3;
	s15 =	sadd.s32 $0xC40, s10;
	s16 =	sadd.s32 s10, s4  }
0xf: {  	s20 =	sadd.s32 $0x1880, s10;
	s12 =	simm.s32 $0xC40;
	s9 =	smin.u32 s9, $0x17A60  }
0x10: {  	s0 =	sadd.s32 s0, s21;
	s22 =	sadd.s32 s1, s21;
	[dreg:$0x12] =	wrdreg s16  }
0x11: {  	s23 =	sadd.s32 s2, s21;
	s1 =	sadd.s32 s14, s13;
	[dreg:$0x9] =	wrdreg s0  }
0x12: {  	s18 =	sshrl.u32 s15, $0x3;
	s13 =	simm.s32 $0x1;
	[dreg:$0xa] =	wrdreg s22  }
0x13: {  	s14 =	simm.s32 $0x2;
	s16 =	simm.s32 $0x3;
	[dreg:$0xb] =	wrdreg s23  }
0x14: {  	s9 =	sshrl.u32 s9, $0x3;
	[dreg:$0x10] =	wrdreg s1;
	s0 =	sadd.s32 s26, s3  }
0x15: {  	s22 =	sadd.s32 $0x24C0, s10;
	[dreg:$0x11] =	wrdreg s0;
	s0 =	sadd.s32 s15, s4  }
0x16: {  	s10 =	simm.s32 $0xA;
	s1 =	sadd.s32 s22, s4;
	[dreg:$0x14] =	wrdreg s0  }
0x17: {  	s11 =	sadd.s32 s9, s6;
	s23 =	sadd.s32 s8, s9;
	[dreg:$0x19] =	wrdreg s1  }
0x18: {  	s6 =	sadd.s32 $0xCC00, s6;
	s24 =	sadd.s32 $0x800, s11;
	[dreg:$0x18] =	wrdreg s23  }
0x19: {  	s8 =	simm.s32 $0xD;
	s25 =	sadd.s32 $0x38D4, s11;
	[dreg:$0xc] =	wrdreg s24  }
0x1a: {  	s9 =	simm.s32 $0x9;
	s2 =	sadd.s32 $0x69A8, s11;
	[dreg:$0xd] =	wrdreg s25  }
0x1b: {  	s11 =	sadd.s32 $0x9A7C, s11;
	s17 =	sadd.s32 s6, s21;
	[dreg:$0xe] =	wrdreg s2  }
0x1c: {  	s19 =	sadd.s32 s6, s18;
	s21 =	sadd.s32 s20, s4;
	[dreg:$0xf] =	wrdreg s11  }
0x1d: {  	s0 =	sshrl.u32 s20, $0x3;
	s26 =	sadd.s32 $0xC4, s23;
	[dreg:$0x13] =	wrdreg s17  }
0x1e: {  	s18 =	simm.s32 $0x4;
	s20 =	simm.s32 $0x16308;
	[dreg:$0x15] =	wrdreg s19  }
0x1f: {  	s23 =	simm.s32 $0x7;
	s1 =	simm.s32 $0x0;
	[dreg:$0x16] =	wrdreg s21  }
0x20: {  	s0 =	sadd.s32 s6, s0;
	s24 =	sshrl.u32 s22, $0x3;
	s25 =	smax.u32 s7, $0x1  }
0x21: {  	[dreg:$0x1c] =	wrdreg s26;
	s7 =	simm.s32 $0x11;
	s11 =	simm.s32 $0xB  }
0x22: {  	s19 =	simm.s32 $0xC;
	s21 =	simm.s32 $0x10;
	[dreg:$0x17] =	wrdreg s0  }
0x23: {  	s2 =	simm.s32 $0x6;
	s0 =	sadd.s32 s6, s24;
	[dreg:$0x1b] =	wrdreg s25  }
0x24: {  	s24 =	simm.s32 $0x620;
	[dreg:$0x1a] =	wrdreg s0;
	s0 =	simm.s32 $0x8  }
.LBB2_1:
0x25: {  	s15 =	rddreg [dreg:$0x9];
	s17 =	simm.s32 $0x4948  }
0x26: {  	[tilespmem:s17], [sflag:$0x9] =	stream.linear.gather [hbm4b:s15+s5], $0x3100, $0x38;
	[tilespmem:$0x1DFC8] =	vst v63  }
0x27: {  	s25 =	rddreg [dreg:$0xa];
	s22 =	simm.s32 $0x7A48  }
0x28: {  	[tilespmem:s22], [sflag:$0xA] =	stream.linear.gather [hbm4b:s25+s5], $0x3100, $0x38;
	[tilespmem:$0x1DFC8] =	vst v63  }
0x29: {  	s26 =	rddreg [dreg:$0xb];
	s25 =	simm.s32 $0xAB48  }
0x2a: {  	[tilespmem:s25], [sflag:$0xB] =	stream.linear.gather [hbm4b:s26+s5], $0x3100, $0x38;
	[tilespmem:$0x1DFC8] =	vst v63  }
0x2b: {  	s25 =	rddreg [dreg:$0xc];
	s26 =	simm.s32 $0x16F48  }
0x2c: {  	[tilespmem:s26], [sflag:$0x5] =	stream.linear.gather [hbm4b:s25+s5], $0xC40, $0x38;
	[tilespmem:$0x1DFC8] =	vst v63  }
0x2d: {  	s25 =	rddreg [dreg:$0xd];
	s26 =	simm.s32 $0x17BC8  }
0x2e: {  	[tilespmem:s26], [sflag:$0x6] =	stream.linear.gather [hbm4b:s25+s5], $0xC40, $0x38;
	[tilespmem:$0x1DFC8] =	vst v63  }
0x2f: {  	s25 =	rddreg [dreg:$0xe];
	s26 =	simm.s32 $0x18848  }
0x30: {  	[tilespmem:s26], [sflag:$0x7] =	stream.linear.gather [hbm4b:s25+s5], $0xC40, $0x38;
	[tilespmem:$0x1DFC8] =	vst v63  }
0x31: {  	s25 =	rddreg [dreg:$0xf];
	s26 =	simm.s32 $0x194C8  }
0x32: {  	[tilespmem:s26], [sflag:$0x8] =	stream.linear.gather [hbm4b:s25+s5], $0xC40, $0x38;
	[tilespmem:$0x1DFC8] =	vst v63  }
0x33: {  	s26 =	rddreg [dreg:$0x10]  }
0x34: {  	[tilespmem:s30], [sflag:$0x11] =	stream.linear.gather [hbm4b:s26+s5], $0x1870, $0x38;
	[tilespmem:$0x1DFC8] =	vst v63  }
0x35: {  	_ =	swait.ge [sflag:s7], $0x1870  }
0x36: {  	[sflag:s7] =	ssyncset.done $0x0  }
0x37: {  	s25 =	rddreg [dreg:$0x11];
	[sflag:s7] =	ssyncadd.s32 $0xFFFFE790  }
0x38: {  	[spmem:s25] =	stream.linear.scatter [tilespmem:s30], [sflag:$0xD], $0x1870, $0x38;
	[tilespmem:$0x1DFC8] =	vst v63  }
0x39: {  	_ =	swait.ge [sflag:s8], $0x1870  }
0x3a: {  	[sflag:s8] =	ssyncset.done $0x0  }
0x3b: {  	[sflag:s8] =	ssyncadd.s32 $0xFFFFE790  }
0x3c: {  	[bflag:$0x0] =	sbarrier.arrive $0xFFFF  }
0x3d: {  	_ =	swait.ge [sflag:s9], $0x3100  }
0x3e: {  	[sflag:s9] =	ssyncset.done $0x0  }
0x3f: {  	[sflag:s9] =	ssyncadd.s32 $0xFFFFCF00  }
0x40: {  	_ =	swait.ge [sflag:s10], $0x3100  }
0x41: {  	[sflag:s10] =	ssyncset.done $0x0  }
0x42: {  	[sflag:s10] =	ssyncadd.s32 $0xFFFFCF00  }
0x43: {  	_ =	swait.ge [sflag:s11], $0x3100  }
0x44: {  	[sflag:s11] =	ssyncset.done $0x0  }
0x45: {  	s26 =	simm.s32 $0xDC48;
	[sflag:s11] =	ssyncadd.s32 $0xFFFFCF00  }
0x46: {  	[tilespmem:s26], [sflag:$0x1] =	stream.indirect.gather [spmem:s3], $0x1, s17, s12, $0xb8;
	[tilespmem:$0x1DFC8] =	vst v63  }
0x47: {  	s25 =	simm.s32 $0x5588;
	s26 =	simm.s32 $0xE888  }
0x48: {  	[tilespmem:s26], [sflag:$0x2] =	stream.indirect.gather [spmem:s3], $0x1, s25, s12, $0xb8;
	[tilespmem:$0x1DFC8] =	vst v63  }
0x49: {  	s25 =	simm.s32 $0x61C8;
	s26 =	simm.s32 $0xF4C8  }
0x4a: {  	[tilespmem:s26], [sflag:$0x3] =	stream.indirect.gather [spmem:s3], $0x1, s25, s12, $0xb8;
	[tilespmem:$0x1DFC8] =	vst v63  }
0x4b: {  	s17 =	simm.s32 $0x6E08;
	s25 =	simm.s32 $0x10108  }
0x4c: {  	[tilespmem:s25], [sflag:$0x4] =	stream.indirect.gather [spmem:s3], $0x1, s17, s12, $0xb8;
	[tilespmem:$0x1DFC8] =	vst v63  }
0x4d: {  	s26 =	simm.s32 $0x10D48  }
0x4e: {  	[tilespmem:s26], [sflag:$0x9] =	stream.indirect.gather [spmem:s3], $0x1, s22, s12, $0xb8;
	[tilespmem:$0x1DFC8] =	vst v63  }
0x4f: {  	s17 =	simm.s32 $0x8688;
	s22 =	simm.s32 $0x11988  }
0x50: {  	[tilespmem:s22], [sflag:$0xA] =	stream.indirect.gather [spmem:s3], $0x1, s17, s12, $0xb8;
	[tilespmem:$0x1DFC8] =	vst v63  }
0x51: {  	s25 =	simm.s32 $0x92C8;
	s26 =	simm.s32 $0x125C8  }
0x52: {  	[tilespmem:s26], [sflag:$0xB] =	stream.indirect.gather [spmem:s3], $0x1, s25, s12, $0xb8;
	[tilespmem:$0x1DFC8] =	vst v63  }
0x53: {  	s22 =	rddreg [dreg:$0x3];
	s25 =	simm.s32 $0x9F08;
	s26 =	simm.s32 $0x13208  }
0x54: {  	[tilespmem:s26], [sflag:$0xC] =	stream.indirect.gather [hbm4b:s22+s12], $0x1, s25, s12, $0xb8;
	[tilespmem:$0x1DFC8] =	vst v63  }
0x55: {  	_ =	swait.ge [sflag:s13], $0xC40  }
0x56: {  	[sflag:s13] =	ssyncset.done $0x0  }
0x57: {  	[sflag:s13] =	ssyncadd.s32 $0xFFFFF3C0  }
0x58: {  	_ =	swait.ge [sflag:s9], $0xC40  }
0x59: {  	[sflag:s9] =	ssyncset.done $0x0  }
0x5a: {  	s22 =	simm.s32 $0x0;
	[sflag:s9] =	ssyncadd.s32 $0xFFFFF3C0  }
0x5b: {  	v0 =	vld [tilespmem:s22+$0xAB48];
	_ =	sdelay $0x4  }
0x5c: {  	(erf) = vrcp.f32 v0;
	_ =	sdelay $0x2  }
0x5d: {  	s25 =	simm.s32 $0x10  }
0x5e: {  	v3 =	vld [tilespmem:s25+$0xAB48]  }
0x5f: {  	v2 =	vld [tilespmem:s22+$0x10D48]  }
0x60: {  	v0 =	vld [tilespmem:s22+$0xDC48];
	_ =	sdelay $0x2  }
0x61: {  	s26 =	simm.s32 $0x20;
	v5 =	vpop (erf);
	(erf) = vrcp.f32 v3  }
0x62: {  	v1 =	vld [tilespmem:s26+$0xAB48]  }
0x63: {  	v4 =	vsub.f32 v0, v2;
	v0 =	vld [tilespmem:s25+$0xDC48]  }
0x64: {  	v2 =	vld [tilespmem:s25+$0x10D48]  }
0x65: {  	s15 =	simm.s32 $0xC0;
	v3 =	vmul.f32 v5, v4  }
.LBB2_2:
0x66: {  	p0 =	sne.s32 s15, $0x30C0  }
.Ltmp0:
0x67: {  	s17 =	sshra.s32 s15, $0x2;
	s15 =	sadd.s32 $0x40, s15;
	(erf) = vrcp.f32 v1;
	[tilespmem:s22+$0x13E48] =	vst v3;
	(pc) =	sbr.rel @p0 .LBB2_2-.Ltmp0, $4  }
0x68: {  	s22 =	smov.u32 s25;
	s25 =	smov.u32 s26;
	v1 =	vld [tilespmem:s17+$0xAB48]  }
0x69: {  	s26 =	smov.u32 s17;
	v3 =	vsub.f32 v0, v2;
	v0 =	vld [tilespmem:s25+$0xDC48]  }
0x6a: {  	v2 =	vld [tilespmem:s25+$0x10D48];
	v4 =	vpop (erf)  }
0x6b: {  	v3 =	vmul.f32 v4, v3  }
0x6c: {  	_ = 	snop  }
0x6d: {  	(erf) = vrcp.f32 v1  }
0x6e: {  	[tilespmem:s22+$0x13E48] =	vst v3  }
0x6f: {  	v1 =	vld [tilespmem:s26+$0xDC48]  }
0x70: {  	v3 =	vld [tilespmem:s26+$0x10D48];
	_ =	sdelay $0x3  }
0x71: {  	v0 =	vsub.f32 v0, v2  }
0x72: {  	v2 =	vpop (erf);
	v1 =	vsub.f32 v1, v3  }
0x73: {  	v0 =	vmul.f32 v2, v0;
	v2 =	vpop (erf)  }
0x74: {  	v1 =	vmul.f32 v2, v1  }
0x75: {  	[tilespmem:s25+$0x13E48] =	vst v0  }
0x76: {  	s15 =	rddreg [dreg:$0x12];
	[tilespmem:s26+$0x13E48] =	vst v1  }
0x77: {  	[spmem:s15] =	stream.linear.scatter [tilespmem:s30], [sflag:$0x1], $0xC40, $0x38;
	[tilespmem:$0x1DFC8] =	vst v63  }
0x78: {  	s17 =	rddreg [dreg:$0x13];
	s26 =	simm.s32 $0x0  }
0x79: {  	[hbm4b:s17+s26] =	stream.linear.scatter [tilespmem:s30], [sflag:$0xD], $0xC40, $0x38;
	[tilespmem:$0x1DFC8] =	vst v63  }
0x7a: {  	_ =	swait.ge [sflag:s14], $0xC40  }
0x7b: {  	[sflag:s14] =	ssyncset.done $0x0  }
0x7c: {  	[sflag:s14] =	ssyncadd.s32 $0xFFFFF3C0  }
0x7d: {  	_ =	swait.ge [sflag:s10], $0xC40  }
0x7e: {  	[sflag:s10] =	ssyncset.done $0x0  }
0x7f: {  	s22 =	simm.s32 $0x0;
	[sflag:s10] =	ssyncadd.s32 $0xFFFFF3C0  }
0x80: {  	v0 =	vld [tilespmem:s22+$0xB788];
	_ =	sdelay $0x4  }
0x81: {  	(erf) = vrcp.f32 v0;
	_ =	sdelay $0x2  }
0x82: {  	s25 =	simm.s32 $0x10  }
0x83: {  	v3 =	vld [tilespmem:s25+$0xB788]  }
0x84: {  	v2 =	vld [tilespmem:s22+$0x11988]  }
0x85: {  	v0 =	vld [tilespmem:s22+$0xE888];
	_ =	sdelay $0x2  }
0x86: {  	s26 =	simm.s32 $0x20;
	v5 =	vpop (erf);
	(erf) = vrcp.f32 v3  }
0x87: {  	v1 =	vld [tilespmem:s26+$0xB788]  }
0x88: {  	v4 =	vsub.f32 v0, v2;
	v0 =	vld [tilespmem:s25+$0xE888]  }
0x89: {  	v2 =	vld [tilespmem:s25+$0x11988]  }
0x8a: {  	s15 =	simm.s32 $0xC0;
	v3 =	vmul.f32 v5, v4  }
.LBB2_4:
0x8b: {  	p0 =	sne.s32 s15, $0x30C0  }
.Ltmp1:
0x8c: {  	s17 =	sshra.s32 s15, $0x2;
	s15 =	sadd.s32 $0x40, s15;
	(erf) = vrcp.f32 v1;
	[tilespmem:s22+$0x14A88] =	vst v3;
	(pc) =	sbr.rel @p0 .LBB2_4-.Ltmp1, $4  }
0x8d: {  	s22 =	smov.u32 s25;
	s25 =	smov.u32 s26;
	v1 =	vld [tilespmem:s17+$0xB788]  }
0x8e: {  	s26 =	smov.u32 s17;
	v3 =	vsub.f32 v0, v2;
	v0 =	vld [tilespmem:s25+$0xE888]  }
0x8f: {  	v2 =	vld [tilespmem:s25+$0x11988];
	v4 =	vpop (erf)  }
0x90: {  	v3 =	vmul.f32 v4, v3  }
0x91: {  	_ = 	snop  }
0x92: {  	(erf) = vrcp.f32 v1  }
0x93: {  	[tilespmem:s22+$0x14A88] =	vst v3  }
0x94: {  	v1 =	vld [tilespmem:s26+$0xE888]  }
0x95: {  	v3 =	vld [tilespmem:s26+$0x11988];
	_ =	sdelay $0x3  }
0x96: {  	v0 =	vsub.f32 v0, v2  }
0x97: {  	v2 =	vpop (erf);
	v1 =	vsub.f32 v1, v3  }
0x98: {  	v0 =	vmul.f32 v2, v0;
	v2 =	vpop (erf)  }
0x99: {  	v1 =	vmul.f32 v2, v1  }
0x9a: {  	[tilespmem:s25+$0x14A88] =	vst v0  }
0x9b: {  	s15 =	rddreg [dreg:$0x14];
	s25 =	simm.s32 $0x14A88;
	[tilespmem:s26+$0x14A88] =	vst v1  }
0x9c: {  	[spmem:s15] =	stream.linear.scatter [tilespmem:s25], [sflag:$0x2], $0xC40, $0x38;
	[tilespmem:$0x1DFC8] =	vst v63  }
0x9d: {  	s17 =	rddreg [dreg:$0x15];
	s26 =	simm.s32 $0x0  }
0x9e: {  	[hbm4b:s17+s26] =	stream.linear.scatter [tilespmem:s25], [sflag:$0xE], $0xC40, $0x38;
	[tilespmem:$0x1DFC8] =	vst v63  }
0x9f: {  	_ =	swait.ge [sflag:s16], $0xC40  }
0xa0: {  	[sflag:s16] =	ssyncset.done $0x0  }
0xa1: {  	[sflag:s16] =	ssyncadd.s32 $0xFFFFF3C0  }
0xa2: {  	_ =	swait.ge [sflag:s11], $0xC40  }
0xa3: {  	[sflag:s11] =	ssyncset.done $0x0  }
0xa4: {  	s22 =	simm.s32 $0x0;
	[sflag:s11] =	ssyncadd.s32 $0xFFFFF3C0  }
0xa5: {  	v0 =	vld [tilespmem:s22+$0xC3C8];
	_ =	sdelay $0x4  }
0xa6: {  	(erf) = vrcp.f32 v0;
	_ =	sdelay $0x2  }
0xa7: {  	s25 =	simm.s32 $0x10  }
0xa8: {  	v3 =	vld [tilespmem:s25+$0xC3C8]  }
0xa9: {  	v2 =	vld [tilespmem:s22+$0x125C8]  }
0xaa: {  	v0 =	vld [tilespmem:s22+$0xF4C8];
	_ =	sdelay $0x2  }
0xab: {  	s26 =	simm.s32 $0x20;
	v5 =	vpop (erf);
	(erf) = vrcp.f32 v3  }
0xac: {  	v1 =	vld [tilespmem:s26+$0xC3C8]  }
0xad: {  	v4 =	vsub.f32 v0, v2;
	v0 =	vld [tilespmem:s25+$0xF4C8]  }
0xae: {  	v2 =	vld [tilespmem:s25+$0x125C8]  }
0xaf: {  	s15 =	simm.s32 $0xC0;
	v3 =	vmul.f32 v5, v4  }
.LBB2_6:
0xb0: {  	p0 =	sne.s32 s15, $0x30C0  }
.Ltmp2:
0xb1: {  	s17 =	sshra.s32 s15, $0x2;
	s15 =	sadd.s32 $0x40, s15;
	(erf) = vrcp.f32 v1;
	[tilespmem:s22+$0x156C8] =	vst v3;
	(pc) =	sbr.rel @p0 .LBB2_6-.Ltmp2, $4  }
0xb2: {  	s22 =	smov.u32 s25;
	s25 =	smov.u32 s26;
	v1 =	vld [tilespmem:s17+$0xC3C8]  }
0xb3: {  	s26 =	smov.u32 s17;
	v3 =	vsub.f32 v0, v2;
	v0 =	vld [tilespmem:s25+$0xF4C8]  }
0xb4: {  	v2 =	vld [tilespmem:s25+$0x125C8];
	v4 =	vpop (erf)  }
0xb5: {  	v3 =	vmul.f32 v4, v3  }
0xb6: {  	_ = 	snop  }
0xb7: {  	(erf) = vrcp.f32 v1  }
0xb8: {  	[tilespmem:s22+$0x156C8] =	vst v3  }
0xb9: {  	v1 =	vld [tilespmem:s26+$0xF4C8]  }
0xba: {  	v3 =	vld [tilespmem:s26+$0x125C8];
	_ =	sdelay $0x3  }
0xbb: {  	v0 =	vsub.f32 v0, v2  }
0xbc: {  	v2 =	vpop (erf);
	v1 =	vsub.f32 v1, v3  }
0xbd: {  	v0 =	vmul.f32 v2, v0;
	v2 =	vpop (erf)  }
0xbe: {  	v1 =	vmul.f32 v2, v1  }
0xbf: {  	[tilespmem:s25+$0x156C8] =	vst v0  }
0xc0: {  	s15 =	rddreg [dreg:$0x16];
	s25 =	simm.s32 $0x156C8;
	[tilespmem:s26+$0x156C8] =	vst v1  }
0xc1: {  	[spmem:s15] =	stream.linear.scatter [tilespmem:s25], [sflag:$0x3], $0xC40, $0x38;
	[tilespmem:$0x1DFC8] =	vst v63  }
0xc2: {  	s17 =	rddreg [dreg:$0x17];
	s26 =	simm.s32 $0x0  }
0xc3: {  	[hbm4b:s17+s26] =	stream.linear.scatter [tilespmem:s25], [sflag:$0xF], $0xC40, $0x38;
	[tilespmem:$0x1DFC8] =	vst v63  }
0xc4: {  	_ =	swait.ge [sflag:s18], $0xC40  }
0xc5: {  	[sflag:s18] =	ssyncset.done $0x0  }
0xc6: {  	[sflag:s18] =	ssyncadd.s32 $0xFFFFF3C0  }
0xc7: {  	_ =	swait.ge [sflag:s19], $0xC40  }
0xc8: {  	[sflag:s19] =	ssyncset.done $0x0  }
0xc9: {  	s22 =	simm.s32 $0x0;
	[sflag:s19] =	ssyncadd.s32 $0xFFFFF3C0  }
0xca: {  	v0 =	vld [tilespmem:s22+$0xD008];
	_ =	sdelay $0x4  }
0xcb: {  	(erf) = vrcp.f32 v0;
	_ =	sdelay $0x2  }
0xcc: {  	s25 =	simm.s32 $0x10  }
0xcd: {  	v3 =	vld [tilespmem:s25+$0xD008]  }
0xce: {  	v2 =	vld [tilespmem:s22+$0x13208]  }
0xcf: {  	v0 =	vld [tilespmem:s22+$0x10108];
	_ =	sdelay $0x2  }
0xd0: {  	s26 =	simm.s32 $0x20;
	v5 =	vpop (erf);
	(erf) = vrcp.f32 v3  }
0xd1: {  	v1 =	vld [tilespmem:s26+$0xD008]  }
0xd2: {  	v4 =	vsub.f32 v0, v2;
	v0 =	vld [tilespmem:s25+$0x10108]  }
0xd3: {  	v2 =	vld [tilespmem:s25+$0x13208]  }
0xd4: {  	s15 =	simm.s32 $0xC0;
	v3 =	vmul.f32 v5, v4  }
.LBB2_8:
0xd5: {  	p0 =	sne.s32 s15, $0x30C0  }
.Ltmp3:
0xd6: {  	s17 =	sshra.s32 s15, $0x2;
	s15 =	sadd.s32 $0x40, s15;
	(erf) = vrcp.f32 v1;
	[tilespmem:s22+$0x16308] =	vst v3;
	(pc) =	sbr.rel @p0 .LBB2_8-.Ltmp3, $4  }
0xd7: {  	s22 =	smov.u32 s25;
	s25 =	smov.u32 s26;
	v1 =	vld [tilespmem:s17+$0xD008]  }
0xd8: {  	s26 =	smov.u32 s17;
	v3 =	vsub.f32 v0, v2;
	v0 =	vld [tilespmem:s25+$0x10108]  }
0xd9: {  	v2 =	vld [tilespmem:s25+$0x13208];
	v4 =	vpop (erf)  }
0xda: {  	v3 =	vmul.f32 v4, v3  }
0xdb: {  	_ = 	snop  }
0xdc: {  	(erf) = vrcp.f32 v1  }
0xdd: {  	[tilespmem:s22+$0x16308] =	vst v3  }
0xde: {  	v1 =	vld [tilespmem:s26+$0x10108]  }
0xdf: {  	v3 =	vld [tilespmem:s26+$0x13208];
	_ =	sdelay $0x3  }
0xe0: {  	v0 =	vsub.f32 v0, v2  }
0xe1: {  	v2 =	vpop (erf);
	v1 =	vsub.f32 v1, v3  }
0xe2: {  	v0 =	vmul.f32 v2, v0;
	v2 =	vpop (erf)  }
0xe3: {  	v1 =	vmul.f32 v2, v1  }
0xe4: {  	[tilespmem:s25+$0x16308] =	vst v0  }
0xe5: {  	s15 =	rddreg [dreg:$0x19];
	[tilespmem:s26+$0x16308] =	vst v1  }
0xe6: {  	[spmem:s15] =	stream.linear.scatter [tilespmem:s20], [sflag:$0x4], $0xC40, $0x38;
	[tilespmem:$0x1DFC8] =	vst v63  }
0xe7: {  	s17 =	rddreg [dreg:$0x1a];
	s26 =	simm.s32 $0x0  }
0xe8: {  	[hbm4b:s17+s26] =	stream.linear.scatter [tilespmem:s20], [sflag:$0x10], $0xC40, $0x38;
	[tilespmem:$0x1DFC8] =	vst v63  }
0xe9: {  	_ =	swait.ge [sflag:s13], $0xC40  }
0xea: {  	[sflag:s13] =	ssyncset.done $0x0  }
0xeb: {  	[sflag:s13] =	ssyncadd.s32 $0xFFFFF3C0  }
0xec: {  	_ =	swait.ge [sflag:s8], $0xC40  }
0xed: {  	[sflag:s8] =	ssyncset.done $0x0  }
0xee: {  	[sflag:s8] =	ssyncadd.s32 $0xFFFFF3C0  }
0xef: {  	_ =	swait.ge [sflag:s14], $0xC40  }
0xf0: {  	[sflag:s14] =	ssyncset.done $0x0  }
0xf1: {  	[sflag:s14] =	ssyncadd.s32 $0xFFFFF3C0  }
0xf2: {  	_ =	swait.ge [sflag:s28], $0xC40  }
0xf3: {  	[sflag:s28] =	ssyncset.done $0x0  }
0xf4: {  	[sflag:s28] =	ssyncadd.s32 $0xFFFFF3C0  }
0xf5: {  	_ =	swait.ge [sflag:s16], $0xC40  }
0xf6: {  	[sflag:s16] =	ssyncset.done $0x0  }
0xf7: {  	[sflag:s16] =	ssyncadd.s32 $0xFFFFF3C0  }
0xf8: {  	_ =	swait.ge [sflag:s29], $0xC40  }
0xf9: {  	[sflag:s29] =	ssyncset.done $0x0  }
0xfa: {  	[sflag:s29] =	ssyncadd.s32 $0xFFFFF3C0  }
0xfb: {  	_ =	swait.ge [sflag:s18], $0xC40  }
0xfc: {  	[sflag:s18] =	ssyncset.done $0x0  }
0xfd: {  	[sflag:s18] =	ssyncadd.s32 $0xFFFFF3C0  }
0xfe: {  	_ =	swait.ge [sflag:s21], $0xC40  }
0xff: {  	[sflag:s21] =	ssyncset.done $0x0  }
0x100: {  	[sflag:s21] =	ssyncadd.s32 $0xFFFFF3C0  }
0x101: {  	[bflag:$0x0] =	sbarrier.arrive $0xFFFF  }
0x102: {  	_ =	swait.ge [sflag:s31], $0xC40  }
0x103: {  	[sflag:s31] =	ssyncset.done $0x0  }
0x104: {  	[sflag:s31] =	ssyncadd.s32 $0xFFFFF3C0  }
0x105: {  	_ =	swait.ge [sflag:s2], $0xC40  }
0x106: {  	[sflag:s2] =	ssyncset.done $0x0  }
0x107: {  	[sflag:s2] =	ssyncadd.s32 $0xFFFFF3C0  }
0x108: {  	_ =	swait.ge [sflag:s23], $0xC40  }
0x109: {  	[sflag:s23] =	ssyncset.done $0x0  }
0x10a: {  	[sflag:s23] =	ssyncadd.s32 $0xFFFFF3C0  }
0x10b: {  	_ =	swait.ge [sflag:s0], $0xC40  }
0x10c: {  	[sflag:s0] =	ssyncset.done $0x0  }
0x10d: {  	s22 =	simm.s32 $0x1A148;
	s17 =	simm.s32 $0x16F48;
	[sflag:s0] =	ssyncadd.s32 $0xFFFFF3C0  }
0x10e: {  	[tilespmem:s22], [sflag:$0x1] =	stream.indirect.gather [spmem:s4], $0x1, s17, s24, $0xb8;
	[tilespmem:$0x1DFC8] =	vst v63  }
0x10f: {  	s25 =	simm.s32 $0x17BC8;
	s26 =	simm.s32 $0x1ADC8  }
0x110: {  	[tilespmem:s26], [sflag:$0x2] =	stream.indirect.gather [spmem:s4], $0x1, s25, s24, $0xb8;
	[tilespmem:$0x1DFC8] =	vst v63  }
0x111: {  	s17 =	simm.s32 $0x18848;
	s22 =	simm.s32 $0x1BA48  }
0x112: {  	[tilespmem:s22], [sflag:$0x3] =	stream.indirect.gather [spmem:s4], $0x1, s17, s24, $0xb8;
	[tilespmem:$0x1DFC8] =	vst v63  }
0x113: {  	s25 =	simm.s32 $0x194C8;
	s26 =	simm.s32 $0x1C6C8  }
0x114: {  	[tilespmem:s26], [sflag:$0x4] =	stream.indirect.gather [spmem:s4], $0x1, s25, s24, $0xb8;
	[tilespmem:$0x1DFC8] =	vst v63  }
0x115: {  	s17 =	simm.s32 $0x17568;
	s22 =	simm.s32 $0x1A768  }
0x116: {  	[tilespmem:s22], [sflag:$0x5] =	stream.indirect.gather [spmem:s4], $0x1, s17, s24, $0xb8;
	[tilespmem:$0x1DFC8] =	vst v63  }
0x117: {  	s25 =	simm.s32 $0x181E8;
	s26 =	simm.s32 $0x1B3E8  }
0x118: {  	[tilespmem:s26], [sflag:$0x6] =	stream.indirect.gather [spmem:s4], $0x1, s25, s24, $0xb8;
	[tilespmem:$0x1DFC8] =	vst v63  }
0x119: {  	s17 =	simm.s32 $0x18E68;
	s22 =	simm.s32 $0x1C068  }
0x11a: {  	[tilespmem:s22], [sflag:$0x7] =	stream.indirect.gather [spmem:s4], $0x1, s17, s24, $0xb8;
	[tilespmem:$0x1DFC8] =	vst v63  }
0x11b: {  	s25 =	simm.s32 $0x19AE8;
	s26 =	simm.s32 $0x1CCE8  }
0x11c: {  	[tilespmem:s26], [sflag:$0x8] =	stream.indirect.gather [hbm4b:s6+s24], $0x1, s25, s24, $0xb8;
	[tilespmem:$0x1DFC8] =	vst v63  }
0x11d: {  	_ =	swait.ge [sflag:s13], $0x620  }
0x11e: {  	[sflag:s13] =	ssyncset.done $0x0  }
0x11f: {  	[sflag:s13] =	ssyncadd.s32 $0xFFFFF9E0  }
0x120: {  	_ =	swait.ge [sflag:s14], $0x620  }
0x121: {  	[sflag:s14] =	ssyncset.done $0x0  }
0x122: {  	[sflag:s14] =	ssyncadd.s32 $0xFFFFF9E0  }
0x123: {  	_ =	swait.ge [sflag:s16], $0x620  }
0x124: {  	[sflag:s16] =	ssyncset.done $0x0  }
0x125: {  	[sflag:s16] =	ssyncadd.s32 $0xFFFFF9E0  }
0x126: {  	_ =	swait.ge [sflag:s18], $0x620  }
0x127: {  	[sflag:s18] =	ssyncset.done $0x0  }
0x128: {  	s25 =	simm.s32 $0x0;
	[sflag:s18] =	ssyncadd.s32 $0xFFFFF9E0  }
0x129: {  	v2 =	vld [tilespmem:s25+$0x1A148]  }
0x12a: {  	v3 =	vld [tilespmem:s25+$0x1ADC8]  }
0x12b: {  	v4 =	vld [tilespmem:s25+$0x1BA48]  }
0x12c: {  	v5 =	vld [tilespmem:s25+$0x1C6C8];
	_ =	sdelay $0x1  }
0x12d: {  	s22 =	simm.s32 $0x10  }
0x12e: {  	v0 =	vld [tilespmem:s22+$0x1A148]  }
0x12f: {  	v1 =	vld [tilespmem:s22+$0x1ADC8]  }
0x130: {  	v6 =	vadd.f32 v3, v2;
	v4 =	vadd.f32 v5, v4;
	v2 =	vld [tilespmem:s22+$0x1BA48]  }
0x131: {  	v3 =	vld [tilespmem:s22+$0x1C6C8]  }
0x132: {  	s26 =	simm.s32 $0x80;
	v4 =	vadd.f32 v4, v6  }
.LBB2_10:
0x133: {  	s15 =	sshra.s32 s26, $0x2;
	v5 =	vmov v0;
	p0 =	sne.s32 s26, $0x1840  }
.Ltmp4:
0x134: {  	v0 =	vld [tilespmem:s15+$0x1A148];
	v4 =	vmul.f32 $2.500000000e-01, v4;
	v6 =	vmov v1;
	(pc) =	sbr.rel @p0 .LBB2_10-.Ltmp4, $4  }
0x135: {  	v1 =	vld [tilespmem:s15+$0x1ADC8]  }
0x136: {  	s26 =	sadd.s32 $0x40, s26;
	v5 =	vadd.f32 v6, v5;
	v6 =	vadd.f32 v3, v2;
	v2 =	vld [tilespmem:s15+$0x1BA48];
	[tilespmem:s25+$0x1D348] =	vst v4;
	s25 =	smov.u32 s22  }
0x137: {  	s22 =	smov.u32 s15;
	v3 =	vld [tilespmem:s15+$0x1C6C8]  }
0x138: {  	v4 =	vadd.f32 v6, v5  }
0x139: {  	_ =	sdelay $0x2  }
0x13a: {  	v0 =	vadd.f32 v1, v0;
	v1 =	vadd.f32 v3, v2;
	_ =	sdelay $0x1  }
0x13b: {  	v0 =	vadd.f32 v1, v0  }
0x13c: {  	v1 =	vmul.f32 $2.500000000e-01, v4  }
0x13d: {  	v0 =	vmul.f32 $2.500000000e-01, v0  }
0x13e: {  	[tilespmem:s25+$0x1D348] =	vst v1  }
0x13f: {  	s15 =	simm.s32 $0x0;
	s17 =	rddreg [dreg:$0x18];
	s26 =	simm.s32 $0x1D348;
	[tilespmem:s22+$0x1D348] =	vst v0  }
0x140: {  	[hbm4b:s17+s15] =	stream.linear.scatter [tilespmem:s26], [sflag:$0x9], $0x620, $0x38;
	[tilespmem:$0x1DFC8] =	vst v63  }
0x141: {  	_ =	swait.ge [sflag:s31], $0x620  }
0x142: {  	[sflag:s31] =	ssyncset.done $0x0  }
0x143: {  	[sflag:s31] =	ssyncadd.s32 $0xFFFFF9E0  }
0x144: {  	_ =	swait.ge [sflag:s2], $0x620  }
0x145: {  	[sflag:s2] =	ssyncset.done $0x0  }
0x146: {  	[sflag:s2] =	ssyncadd.s32 $0xFFFFF9E0  }
0x147: {  	_ =	swait.ge [sflag:s23], $0x620  }
0x148: {  	[sflag:s23] =	ssyncset.done $0x0  }
0x149: {  	[sflag:s23] =	ssyncadd.s32 $0xFFFFF9E0  }
0x14a: {  	_ =	swait.ge [sflag:s0], $0x620  }
0x14b: {  	[sflag:s0] =	ssyncset.done $0x0  }
0x14c: {  	s25 =	simm.s32 $0x0;
	[sflag:s0] =	ssyncadd.s32 $0xFFFFF9E0  }
0x14d: {  	v2 =	vld [tilespmem:s25+$0x1A768]  }
0x14e: {  	v3 =	vld [tilespmem:s25+$0x1B3E8]  }
0x14f: {  	v4 =	vld [tilespmem:s25+$0x1C068]  }
0x150: {  	v5 =	vld [tilespmem:s25+$0x1CCE8];
	_ =	sdelay $0x1  }
0x151: {  	s22 =	simm.s32 $0x10  }
0x152: {  	v0 =	vld [tilespmem:s22+$0x1A768]  }
0x153: {  	v1 =	vld [tilespmem:s22+$0x1B3E8]  }
0x154: {  	v6 =	vadd.f32 v3, v2;
	v4 =	vadd.f32 v5, v4;
	v2 =	vld [tilespmem:s22+$0x1C068]  }
0x155: {  	v3 =	vld [tilespmem:s22+$0x1CCE8]  }
0x156: {  	s26 =	simm.s32 $0x80;
	v4 =	vadd.f32 v4, v6  }
.LBB2_12:
0x157: {  	s15 =	sshra.s32 s26, $0x2;
	v5 =	vmov v0;
	p0 =	sne.s32 s26, $0x1840  }
.Ltmp5:
0x158: {  	v0 =	vld [tilespmem:s15+$0x1A768];
	v4 =	vmul.f32 $2.500000000e-01, v4;
	v6 =	vmov v1;
	(pc) =	sbr.rel @p0 .LBB2_12-.Ltmp5, $4  }
0x159: {  	v1 =	vld [tilespmem:s15+$0x1B3E8]  }
0x15a: {  	s26 =	sadd.s32 $0x40, s26;
	v5 =	vadd.f32 v6, v5;
	v6 =	vadd.f32 v3, v2;
	v2 =	vld [tilespmem:s15+$0x1C068];
	[tilespmem:s25+$0x1D968] =	vst v4;
	s25 =	smov.u32 s22  }
0x15b: {  	s22 =	smov.u32 s15;
	v3 =	vld [tilespmem:s15+$0x1CCE8]  }
0x15c: {  	v4 =	vadd.f32 v6, v5  }
0x15d: {  	_ =	sdelay $0x2  }
0x15e: {  	v0 =	vadd.f32 v1, v0;
	v62 =	vadd.f32 v3, v2;
	_ =	sdelay $0x1  }
0x15f: {  	v0 =	vadd.f32 v62, v0  }
0x160: {  	v63 =	vmul.f32 $2.500000000e-01, v4  }
0x161: {  	v0 =	vmul.f32 $2.500000000e-01, v0  }
0x162: {  	[tilespmem:s25+$0x1D968] =	vst v63  }
0x163: {  	s15 =	rddreg [dreg:$0x1c];
	s17 =	simm.s32 $0x1D968;
	[tilespmem:s22+$0x1D968] =	vst v0  }
0x164: {  	[hbm4b:s15+s5] =	stream.linear.scatter [tilespmem:s17], [sflag:$0xA], $0x620, $0x38;
	[tilespmem:$0x1DFC8] =	vst v63  }
0x165: {  	_ =	swait.ge [sflag:s9], $0x620  }
0x166: {  	[sflag:s9] =	ssyncset.done $0x0  }
0x167: {  	[sflag:s9] =	ssyncadd.s32 $0xFFFFF9E0  }
0x168: {  	_ =	swait.ge [sflag:s10], $0x620  }
0x169: {  	s1 =	sadd.s32 $0x1, s1;
	s26 =	rddreg [dreg:$0x1b]  }
0x16a: {  	p0 =	sne.s32 s1, s26  }
.Ltmp6:
0x16b: {  	_ = 	snop;
	(pc) =	sbr.rel @p0 .LBB2_1-.Ltmp6, $3  }
0x16c: {  	_ =	sdelay $0x1  }
0x16d: {  	[sflag:s10] =	ssyncset.done $0x0  }
0x16e: {  	[sflag:s10] =	ssyncadd.s32 $0xFFFFF9E0  }
0x16f: {  	_ =	sfence.sel $0x180000  }
0x170: {  	[bflag:$0x0] =	sbarrier.arrive $0xFFFF  }
0x171: {  	_ =	strace $0x90000047  }
0x172: {  	s0 =	stileid.u32;
	[bflag:$0x2] =	sbarrier.arrive $0xFFFF  }
0x173: {  	p0 =	sne.s32 s0, $0x0;
	s0 =	rddreg [dreg:$0x8]  }
0x174: {  	s0 =	sadd.s32 @!p0 $0x100000, s0  }
0x175: {  	[sflag:s0] =	ssyncadd.tile.s32 @!p0 $0x1;
	_ =	shalt  }
.Lfunc_end2:
_tile_overlayer_lowered:
.L_overlay_start_2:
0x176: {  	(tag) =	ssettag $0x2  }
0x177: {  	s0 =	rddreg [dreg:$0x0];
	s2 =	stileid.u32  }
0x178: {  	s1 =	rddreg [dreg:$0x1];
	p0 =	sne.s32 s2, $0x0  }
0x179: {  	s3 =	rddreg [dreg:$0x2];
	[bflag:$0x3] =	sbarrier.arrive $0xFFFF;
	s2 =	simm.s32 @!p0 $0x1C11  }
0x17a: {  	[timem:s3], [sflag:s2] =	dma.local @!p0 [hbm:s0], s1  }
0x17b: {  	s0 =	simm.s32 @!p0 $0x11  }
0x17c: {  	_ =	swait.ge @!p0 [sflag:s0], s1  }
0x17d: {  	s1 =	ssub.s32 @!p0 $0x0, s1;
	[sflag:s0] =	ssyncset.done @!p0 $0x0  }
0x17e: {  	[sflag:s0] =	ssyncadd.s32 @!p0 s1  }
0x17f: {  	[bflag:$0x3] =	sbarrier.arrive $0xFFFF  }
0x180: {  	_ =	shalt  }

</sc_bundles>
